<compile_context>
chip_gen: v7x
topology: tpu7x:2x2x1
jax: 0.10.2.dev20260603
libtpu: 0.0.44.dev20260713+nightly
codegen_flags: <defaults>
</compile_context>

<pallas_src>
import functools

import jax
import jax.numpy as jnp
from jax import lax
from jax.experimental import pallas as pl
from jax.experimental.pallas import tpu as pltpu
from jax.experimental.pallas import tpu_sc as plsc

N = 10000
E = 320000
D = 128

NC = 2
NS = 16
NW = NC * NS
B = 128
NB = E // B
ITERS = (NB + NW - 1) // NW


def _pre_body(node_ref, w1s_ref, w1r_ref, ps_ref, pr_ref):
  x = node_ref[...]
  ps_ref[...] = jnp.dot(x, w1s_ref[...], preferred_element_type=jnp.float32)
  pr_ref[...] = jnp.dot(x, w1r_ref[...], preferred_element_type=jnp.float32)


def _edge_body(gs_ref, gr_ref, e_ref, w1x_ref, b1_ref, w2_ref, b2_ref,
               enew_ref, eout_ref):
  e = e_ref[...]
  h = gs_ref[...] + gr_ref[...] + b1_ref[...]
  h += jnp.dot(e, w1x_ref[...], preferred_element_type=jnp.float32)
  h = jnp.maximum(h, 0.0)
  en = jnp.dot(h, w2_ref[...], preferred_element_type=jnp.float32) + b2_ref[...]
  enew_ref[...] = en
  eout_ref[...] = en + e


def _node_body(parts_ref, node_ref, w1a_ref, w1b_ref, b1_ref, w2_ref, b2_ref,
               x_ref):
  agg = parts_ref[0] + parts_ref[1]
  agg = agg - jnp.mean(agg, axis=0, keepdims=True)
  node = node_ref[...]
  h = jnp.dot(node, w1a_ref[...], preferred_element_type=jnp.float32)
  h += jnp.dot(agg, w1b_ref[...], preferred_element_type=jnp.float32)
  h = jnp.maximum(h + b1_ref[...], 0.0)
  x = jnp.dot(h, w2_ref[...], preferred_element_type=jnp.float32) + b2_ref[...]
  x = x + node
  x_ref[...] = x - jnp.mean(x, axis=0, keepdims=True)



@functools.cache
def _sc_kernels():
  mesh = plsc.VectorSubcoreMesh(core_axis_name="c", subcore_axis_name="s")

  @functools.partial(
      pl.kernel,
      out_type=(jax.ShapeDtypeStruct((E, D), jnp.float32),
                jax.ShapeDtypeStruct((E, D), jnp.float32)),
      mesh=mesh,
      scratch_types=[
          pltpu.VMEM((B,), jnp.int32),
          pltpu.VMEM((B,), jnp.int32),
          pltpu.VMEM((B, D), jnp.float32),
          pltpu.VMEM((B, D), jnp.float32),
          pltpu.SemaphoreType.DMA,
          pltpu.SemaphoreType.DMA,
      ],
  )
  def sc_gather(ps_hbm, pr_hbm, s_hbm, r_hbm, gs_hbm, gr_hbm,
                si_v, ri_v, rs_v, rr_v, sem_s, sem_r):
    wid = lax.axis_index("s") * NC + lax.axis_index("c")

    def body(k, carry):
      b = wid + NW * k

      @pl.when(b < NB)
      def _():
        off = b * B
        pltpu.sync_copy(s_hbm.at[pl.ds(off, B)], si_v)
        pltpu.sync_copy(r_hbm.at[pl.ds(off, B)], ri_v)
        cp_s = pltpu.async_copy(ps_hbm.at[si_v], rs_v, sem_s)
        cp_r = pltpu.async_copy(pr_hbm.at[ri_v], rr_v, sem_r)
        cp_s.wait()
        cp_r.wait()
        pltpu.sync_copy(rs_v, gs_hbm.at[pl.ds(off, B)])
        pltpu.sync_copy(rr_v, gr_hbm.at[pl.ds(off, B)])

      return carry

    lax.fori_loop(0, ITERS, body, None)

  @functools.partial(
      pl.kernel,
      out_type=jax.ShapeDtypeStruct((NC, N, D), jnp.float32),
      mesh=mesh,
      scratch_types=[
          pltpu.VMEM_SHARED((N, D), jnp.float32),
          pltpu.VMEM((B,), jnp.int32),
          pltpu.VMEM((B, D), jnp.float32),
      ],
  )
  def sc_scatter(enew_hbm, r_hbm, zeros_hbm, out_hbm, acc_sh, ri_v, rows_v):
    c = lax.axis_index("c")
    s = lax.axis_index("s")
    wid = s * NC + c

    @pl.when(s == 0)
    def _():
      pltpu.sync_copy(zeros_hbm, acc_sh)

    plsc.subcore_barrier()

    def body(k, carry):
      b = wid + NW * k

      @pl.when(b < NB)
      def _():
        off = b * B
        pltpu.sync_copy(r_hbm.at[pl.ds(off, B)], ri_v)
        pltpu.sync_copy(enew_hbm.at[pl.ds(off, B)], rows_v)
        pltpu.sync_copy(rows_v, acc_sh.at[ri_v], add=True)

      return carry

    lax.fori_loop(0, ITERS, body, None)
    plsc.subcore_barrier()

    @pl.when(s == 0)
    def _():
      pltpu.sync_copy(acc_sh, out_hbm.at[c])

  return sc_gather, sc_scatter



EB = 3200


def kernel(node_attr, edge_index, edge_attr, W1e, b1e, W2e, b2e,
           W1n, b1n, W2n, b2n):
  senders = edge_index[0]
  receivers = edge_index[1]
  w1s, w1r, w1x = W1e[:D], W1e[D:2 * D], W1e[2 * D:]
  b1e2 = b1e.reshape(1, D)
  b2e2 = b2e.reshape(1, D)
  w1na, w1nb = W1n[:D], W1n[D:]
  b1n2 = b1n.reshape(1, D)
  b2n2 = b2n.reshape(1, D)

  ps, pr = pl.pallas_call(
      _pre_body,
      out_shape=(jax.ShapeDtypeStruct((N, D), jnp.float32),
                 jax.ShapeDtypeStruct((N, D), jnp.float32)),
  )(node_attr, w1s, w1r)

  sc_gather, sc_scatter = _sc_kernels()
  gs, gr = sc_gather(ps, pr, senders, receivers)

  grid = E // EB
  blk = pl.BlockSpec((EB, D), lambda i: (i, 0))
  wspec = pl.BlockSpec((D, D), lambda i: (0, 0))
  bspec = pl.BlockSpec((1, D), lambda i: (0, 0))
  enew, edge_out = pl.pallas_call(
      _edge_body,
      grid=(grid,),
      in_specs=[blk, blk, blk, wspec, bspec, wspec, bspec],
      out_specs=(blk, blk),
      out_shape=(jax.ShapeDtypeStruct((E, D), jnp.float32),
                 jax.ShapeDtypeStruct((E, D), jnp.float32)),
  )(gs, gr, edge_attr, w1x, b1e2, W2e, b2e2)

  zeros = jnp.zeros((N, D), jnp.float32)
  parts = sc_scatter(enew, receivers, zeros)

  x = pl.pallas_call(
      _node_body,
      out_shape=jax.ShapeDtypeStruct((N, D), jnp.float32),
  )(parts, node_attr, w1na, w1nb, b1n2, W2n, b2n2)

  return (x, edge_index, edge_out)

# --- scband reference (transcript-rebuilt; emitter-appended) ---
"""Pipeline reference for scband-gn-block-12120397709386 (READ-ONLY COPY).

The authoritative reference and input builder live on the scoring server;
editing this copy changes nothing except your own understanding.
"""

import jax, jax.numpy as jnp
import numpy as np

N = 10000
E = 320000
D = 128

def _mlp(x, W1, b1, W2, b2):
    # MLP(in, hidden, out): Linear -> ReLU -> Linear
    h = jnp.maximum(x @ W1 + b1, 0.0)
    return h @ W2 + b2

def setup_inputs(seed: int = 0) -> dict:
    key = jax.random.key(seed)
    ks = jax.random.split(key, 12)
    node_attr = jax.random.normal(ks[0], (N, D), dtype=jnp.float32)
    edge_index = jax.random.randint(ks[1], (2, E), 0, N, dtype=jnp.int32)
    edge_attr = jax.random.normal(ks[2], (E, D), dtype=jnp.float32)
    # EdgeBlock MLP: in = 3*D, hidden = D, out = D
    W1e = jax.random.normal(ks[3], (3 * D, D), dtype=jnp.float32) * (1.0 / np.sqrt(3 * D))
    b1e = jnp.zeros((D,), dtype=jnp.float32)
    W2e = jax.random.normal(ks[4], (D, D), dtype=jnp.float32) * (1.0 / np.sqrt(D))
    b2e = jnp.zeros((D,), dtype=jnp.float32)
    # NodeBlock MLP: in = 2*D, hidden = D, out = D
    W1n = jax.random.normal(ks[5], (2 * D, D), dtype=jnp.float32) * (1.0 / np.sqrt(2 * D))
    b1n = jnp.zeros((D,), dtype=jnp.float32)
    W2n = jax.random.normal(ks[6], (D, D), dtype=jnp.float32) * (1.0 / np.sqrt(D))
    b2n = jnp.zeros((D,), dtype=jnp.float32)
    return {
        "node_attr": node_attr,
        "edge_index": edge_index,
        "edge_attr": edge_attr,
        "W1e": W1e, "b1e": b1e, "W2e": W2e, "b2e": b2e,
        "W1n": W1n, "b1n": b1n, "W2n": W2n, "b2n": b2n,
    }

def reference(node_attr, edge_index, edge_attr, W1e, b1e, W2e, b2e, W1n, b1n, W2n, b2n):
    senders_idx = edge_index[0]
    receivers_idx = edge_index[1]
    # EdgeBlock
    senders_attr = jnp.take(node_attr, senders_idx, axis=0)
    receivers_attr = jnp.take(node_attr, receivers_idx, axis=0)
    collected_edges = jnp.concatenate([senders_attr, receivers_attr, edge_attr], axis=1)
    edge_attr_new = _mlp(collected_edges, W1e, b1e, W2e, b2e)
    # NodeBlock
    agg = jax.ops.segment_sum(edge_attr_new, receivers_idx, num_segments=node_attr.shape[0])
    # ib_e = True
    agg = agg - jnp.mean(agg, axis=0)
    collected_nodes = jnp.concatenate([node_attr, agg], axis=-1)
    x = _mlp(collected_nodes, W1n, b1n, W2n, b2n)
    # residuals
    edge_out = edge_attr_new + edge_attr
    x = x + node_attr
    # ib_n = True
    x = x - jnp.mean(x, axis=0)
    return (x, edge_index, edge_out)

if __name__ == "__main__":
    import jax
    _d = setup_inputs()
    print(jax.jit(kernel)(*tuple(_d.values())))

</pallas_src>

<mosaic_0001>
#map = affine_map<(d0, d1) -> (0, 0)>
#map1 = affine_map<(d0, d1) -> (0)>
module attributes {stable_mosaic.version = 14 : i64} {
  func.func @sc_gather(%arg0: i32, %arg1: i32, %arg2: memref<10000x128xf32, #tpu.memory_space<hbm>>, %arg3: memref<10000x128xf32, #tpu.memory_space<hbm>>, %arg4: memref<320000xi32, #tpu.memory_space<hbm>>, %arg5: memref<320000xi32, #tpu.memory_space<hbm>>, %arg6: memref<320000x128xf32, #tpu.memory_space<hbm>>, %arg7: memref<320000x128xf32, #tpu.memory_space<hbm>>, %arg8: memref<128xi32, #tpu.memory_space<vmem>>, %arg9: memref<128xi32, #tpu.memory_space<vmem>>, %arg10: memref<128x128xf32, #tpu.memory_space<vmem>>, %arg11: memref<128x128xf32, #tpu.memory_space<vmem>>, %arg12: memref<!tpu.dma_semaphore, #tpu.memory_space<semaphore_mem>>, %arg13: memref<!tpu.dma_semaphore, #tpu.memory_space<semaphore_mem>>) attributes {dimension_semantics = [#tpu.dimension_semantics<core_parallel>, #tpu.dimension_semantics<subcore_parallel>], iteration_bounds = array<i64: 2, 16>, scalar_prefetch = 0 : i64, scratch_operands = 6 : i64, tpu.core_type = #tpu.core_type<sc_vector_subcore>, window_params = [{transform_indices = #map}, {transform_indices = #map}, {transform_indices = #map1}, {transform_indices = #map1}, {transform_indices = #map}, {transform_indices = #map}]} {
    %mul3A = arith.constant 2 : i32
    %mul3A_0 = arith.muli %arg1, %mul3A : i32
    %add3A = arith.addi %mul3A_0, %arg0 : i32
    %scan3A = arith.constant 0 : i32
    %scan3A_1 = arith.constant 79 : i32
    %scan3A_2 = arith.addi %scan3A, %scan3A_1 : i32
    %scan3A_3 = arith.constant 1 : i32
    scf.for %scan3A_5 = %scan3A to %scan3A_2 step %scan3A_3  : i32 {
      %mul3A_6 = arith.constant 32 : i32
      %mul3A_7 = arith.muli %mul3A_6, %scan3A_5 : i32
      %add3A_8 = arith.addi %add3A, %mul3A_7 : i32
      %lt3A = arith.constant 2500 : i32
      %lt3A_9 = arith.cmpi slt, %add3A_8, %lt3A : i32
      %convert_element_type3A = arith.extui %lt3A_9 : i1 to i32
      %cond3A = arith.constant 0 : i32
      %cond3A_10 = arith.cmpi ne, %convert_element_type3A, %cond3A : i32
      scf.if %cond3A_10 {
        %mul3A_11 = arith.constant 128 : i32
        %mul3A_12 = arith.muli %add3A_8, %mul3A_11 : i32
        "tpu.region"() ({
          %run_scoped3A = tpu.sem_alloc : memref<!tpu.dma_semaphore, #tpu.memory_space<semaphore_mem>>
          %dma_start3A_23 = tpu.memref_slice %arg4[%mul3A_12] : memref<320000xi32, #tpu.memory_space<hbm>> -> memref<128xi32, #tpu.memory_space<hbm>>
          %dma_start3A_24 = tpu.memref_slice %arg4[%mul3A_12] : memref<320000xi32, #tpu.memory_space<hbm>> -> memref<128xi32, #tpu.memory_space<hbm>>
          tpu.enqueue_dma source(%dma_start3A_24 : memref<128xi32, #tpu.memory_space<hbm>>) target(%arg8 : memref<128xi32, #tpu.memory_space<vmem>>) target_semaphore(%run_scoped3A : memref<!tpu.dma_semaphore, #tpu.memory_space<semaphore_mem>>)
          %dma_wait3A_25 = tpu.memref_slice %arg4[%mul3A_12] : memref<320000xi32, #tpu.memory_space<hbm>> -> memref<128xi32, #tpu.memory_space<hbm>>
          %dma_wait3A_26 = tpu.memref_slice %arg4[%mul3A_12] : memref<320000xi32, #tpu.memory_space<hbm>> -> memref<128xi32, #tpu.memory_space<hbm>>
          tpu.wait_dma2 semaphore(%run_scoped3A : memref<!tpu.dma_semaphore, #tpu.memory_space<semaphore_mem>>) src(%dma_wait3A_26 : memref<128xi32, #tpu.memory_space<hbm>>) dst(%arg8 : memref<128xi32, #tpu.memory_space<vmem>>)
          tpu.yield
        }) : () -> ()
        "tpu.region"() ({
          %run_scoped3A = tpu.sem_alloc : memref<!tpu.dma_semaphore, #tpu.memory_space<semaphore_mem>>
          %dma_start3A_23 = tpu.memref_slice %arg5[%mul3A_12] : memref<320000xi32, #tpu.memory_space<hbm>> -> memref<128xi32, #tpu.memory_space<hbm>>
          %dma_start3A_24 = tpu.memref_slice %arg5[%mul3A_12] : memref<320000xi32, #tpu.memory_space<hbm>> -> memref<128xi32, #tpu.memory_space<hbm>>
          tpu.enqueue_dma source(%dma_start3A_24 : memref<128xi32, #tpu.memory_space<hbm>>) target(%arg9 : memref<128xi32, #tpu.memory_space<vmem>>) target_semaphore(%run_scoped3A : memref<!tpu.dma_semaphore, #tpu.memory_space<semaphore_mem>>)
          %dma_wait3A_25 = tpu.memref_slice %arg5[%mul3A_12] : memref<320000xi32, #tpu.memory_space<hbm>> -> memref<128xi32, #tpu.memory_space<hbm>>
          %dma_wait3A_26 = tpu.memref_slice %arg5[%mul3A_12] : memref<320000xi32, #tpu.memory_space<hbm>> -> memref<128xi32, #tpu.memory_space<hbm>>
          tpu.wait_dma2 semaphore(%run_scoped3A : memref<!tpu.dma_semaphore, #tpu.memory_space<semaphore_mem>>) src(%dma_wait3A_26 : memref<128xi32, #tpu.memory_space<hbm>>) dst(%arg9 : memref<128xi32, #tpu.memory_space<vmem>>)
          tpu.yield
        }) : () -> ()
        %dma_start3A = arith.constant 0 : i32
        %dma_start3A_13 = arith.constant 0 : i32
        %dma_start3A_14 = tpu.memref_slice %arg2[%dma_start3A, %dma_start3A_13] : memref<10000x128xf32, #tpu.memory_space<hbm>> -> memref<10000x128xf32, #tpu.memory_space<hbm>>
        tpu.enqueue_indirect_dma source(%dma_start3A_14 : memref<10000x128xf32, #tpu.memory_space<hbm>>) target(%arg10 : memref<128x128xf32, #tpu.memory_space<vmem>>) offsets(%arg8 : memref<128xi32, #tpu.memory_space<vmem>>) semaphore(%arg12 : memref<!tpu.dma_semaphore, #tpu.memory_space<semaphore_mem>>)
        %dma_start3A_15 = arith.constant 0 : i32
        %dma_start3A_16 = arith.constant 0 : i32
        %dma_start3A_17 = tpu.memref_slice %arg3[%dma_start3A_15, %dma_start3A_16] : memref<10000x128xf32, #tpu.memory_space<hbm>> -> memref<10000x128xf32, #tpu.memory_space<hbm>>
        tpu.enqueue_indirect_dma source(%dma_start3A_17 : memref<10000x128xf32, #tpu.memory_space<hbm>>) target(%arg11 : memref<128x128xf32, #tpu.memory_space<vmem>>) offsets(%arg9 : memref<128xi32, #tpu.memory_space<vmem>>) semaphore(%arg13 : memref<!tpu.dma_semaphore, #tpu.memory_space<semaphore_mem>>)
        %dma_wait3A = arith.constant 0 : i32
        %dma_wait3A_18 = arith.constant 0 : i32
        %dma_wait3A_19 = tpu.memref_slice %arg2[%dma_wait3A, %dma_wait3A_18] : memref<10000x128xf32, #tpu.memory_space<hbm>> -> memref<10000x128xf32, #tpu.memory_space<hbm>>
        tpu.wait_indirect_dma semaphore(%arg12 : memref<!tpu.dma_semaphore, #tpu.memory_space<semaphore_mem>>) src(%dma_wait3A_19 : memref<10000x128xf32, #tpu.memory_space<hbm>>) dst(%arg10 : memref<128x128xf32, #tpu.memory_space<vmem>>)
        %dma_wait3A_20 = arith.constant 0 : i32
        %dma_wait3A_21 = arith.constant 0 : i32
        %dma_wait3A_22 = tpu.memref_slice %arg3[%dma_wait3A_20, %dma_wait3A_21] : memref<10000x128xf32, #tpu.memory_space<hbm>> -> memref<10000x128xf32, #tpu.memory_space<hbm>>
        tpu.wait_indirect_dma semaphore(%arg13 : memref<!tpu.dma_semaphore, #tpu.memory_space<semaphore_mem>>) src(%dma_wait3A_22 : memref<10000x128xf32, #tpu.memory_space<hbm>>) dst(%arg11 : memref<128x128xf32, #tpu.memory_space<vmem>>)
        "tpu.region"() ({
          %run_scoped3A = tpu.sem_alloc : memref<!tpu.dma_semaphore, #tpu.memory_space<semaphore_mem>>
          %dma_start3A_23 = arith.constant 0 : i32
          %dma_start3A_24 = tpu.memref_slice %arg6[%mul3A_12, %dma_start3A_23] : memref<320000x128xf32, #tpu.memory_space<hbm>> -> memref<128x128xf32, #tpu.memory_space<hbm>>
          %dma_start3A_25 = arith.constant 0 : i32
          %dma_start3A_26 = tpu.memref_slice %arg6[%mul3A_12, %dma_start3A_25] : memref<320000x128xf32, #tpu.memory_space<hbm>> -> memref<128x128xf32, #tpu.memory_space<hbm>>
          tpu.enqueue_dma source(%arg10 : memref<128x128xf32, #tpu.memory_space<vmem>>) target(%dma_start3A_26 : memref<128x128xf32, #tpu.memory_space<hbm>>) target_semaphore(%run_scoped3A : memref<!tpu.dma_semaphore, #tpu.memory_space<semaphore_mem>>)
          %dma_wait3A_27 = arith.constant 0 : i32
          %dma_wait3A_28 = tpu.memref_slice %arg6[%mul3A_12, %dma_wait3A_27] : memref<320000x128xf32, #tpu.memory_space<hbm>> -> memref<128x128xf32, #tpu.memory_space<hbm>>
          %dma_wait3A_29 = arith.constant 0 : i32
          %dma_wait3A_30 = tpu.memref_slice %arg6[%mul3A_12, %dma_wait3A_29] : memref<320000x128xf32, #tpu.memory_space<hbm>> -> memref<128x128xf32, #tpu.memory_space<hbm>>
          tpu.wait_dma2 semaphore(%run_scoped3A : memref<!tpu.dma_semaphore, #tpu.memory_space<semaphore_mem>>) src(%arg10 : memref<128x128xf32, #tpu.memory_space<vmem>>) dst(%dma_wait3A_30 : memref<128x128xf32, #tpu.memory_space<hbm>>)
          tpu.yield
        }) : () -> ()
        "tpu.region"() ({
          %run_scoped3A = tpu.sem_alloc : memref<!tpu.dma_semaphore, #tpu.memory_space<semaphore_mem>>
          %dma_start3A_23 = arith.constant 0 : i32
          %dma_start3A_24 = tpu.memref_slice %arg7[%mul3A_12, %dma_start3A_23] : memref<320000x128xf32, #tpu.memory_space<hbm>> -> memref<128x128xf32, #tpu.memory_space<hbm>>
          %dma_start3A_25 = arith.constant 0 : i32
          %dma_start3A_26 = tpu.memref_slice %arg7[%mul3A_12, %dma_start3A_25] : memref<320000x128xf32, #tpu.memory_space<hbm>> -> memref<128x128xf32, #tpu.memory_space<hbm>>
          tpu.enqueue_dma source(%arg11 : memref<128x128xf32, #tpu.memory_space<vmem>>) target(%dma_start3A_26 : memref<128x128xf32, #tpu.memory_space<hbm>>) target_semaphore(%run_scoped3A : memref<!tpu.dma_semaphore, #tpu.memory_space<semaphore_mem>>)
          %dma_wait3A_27 = arith.constant 0 : i32
          %dma_wait3A_28 = tpu.memref_slice %arg7[%mul3A_12, %dma_wait3A_27] : memref<320000x128xf32, #tpu.memory_space<hbm>> -> memref<128x128xf32, #tpu.memory_space<hbm>>
          %dma_wait3A_29 = arith.constant 0 : i32
          %dma_wait3A_30 = tpu.memref_slice %arg7[%mul3A_12, %dma_wait3A_29] : memref<320000x128xf32, #tpu.memory_space<hbm>> -> memref<128x128xf32, #tpu.memory_space<hbm>>
          tpu.wait_dma2 semaphore(%run_scoped3A : memref<!tpu.dma_semaphore, #tpu.memory_space<semaphore_mem>>) src(%arg11 : memref<128x128xf32, #tpu.memory_space<vmem>>) dst(%dma_wait3A_30 : memref<128x128xf32, #tpu.memory_space<hbm>>)
          tpu.yield
        }) : () -> ()
      } else {
      }
    }
    %scan3A_4 = arith.constant 79 : i32
    return
  }
}

#map = affine_map<(d0, d1) -> (0, 0)>
#map1 = affine_map<(d0, d1) -> (0)>
#map2 = affine_map<(d0, d1) -> (0, 0, 0)>
module attributes {stable_mosaic.version = 14 : i64} {
  func.func @sc_scatter(%arg0: i32, %arg1: i32, %arg2: memref<320000x128xf32, #tpu.memory_space<hbm>>, %arg3: memref<320000xi32, #tpu.memory_space<hbm>>, %arg4: memref<10000x128xf32, #tpu.memory_space<hbm>>, %arg5: memref<2x10000x128xf32, #tpu.memory_space<hbm>>, %arg6: memref<10000x128xf32, #tpu.memory_space<vmem_shared>>, %arg7: memref<128xi32, #tpu.memory_space<vmem>>, %arg8: memref<128x128xf32, #tpu.memory_space<vmem>>) attributes {dimension_semantics = [#tpu.dimension_semantics<core_parallel>, #tpu.dimension_semantics<subcore_parallel>], iteration_bounds = array<i64: 2, 16>, scalar_prefetch = 0 : i64, scratch_operands = 3 : i64, tpu.core_type = #tpu.core_type<sc_vector_subcore>, window_params = [{transform_indices = #map}, {transform_indices = #map1}, {transform_indices = #map}, {transform_indices = #map2}]} {
    %mul3A = arith.constant 2 : i32
    %mul3A_0 = arith.muli %arg1, %mul3A : i32
    %add3A = arith.addi %mul3A_0, %arg0 : i32
    %eq3A = arith.constant 0 : i32
    %eq3A_1 = arith.cmpi eq, %arg1, %eq3A : i32
    %convert_element_type3A = arith.extui %eq3A_1 : i1 to i32
    %cond3A = arith.constant 0 : i32
    %cond3A_2 = arith.cmpi ne, %convert_element_type3A, %cond3A : i32
    scf.if %cond3A_2 {
      "tpu.region"() ({
        %run_scoped3A = tpu.sem_alloc : memref<!tpu.dma_semaphore, #tpu.memory_space<semaphore_mem>>
        tpu.enqueue_dma source(%arg4 : memref<10000x128xf32, #tpu.memory_space<hbm>>) target(%arg6 : memref<10000x128xf32, #tpu.memory_space<vmem_shared>>) target_semaphore(%run_scoped3A : memref<!tpu.dma_semaphore, #tpu.memory_space<semaphore_mem>>)
        tpu.wait_dma2 semaphore(%run_scoped3A : memref<!tpu.dma_semaphore, #tpu.memory_space<semaphore_mem>>) src(%arg4 : memref<10000x128xf32, #tpu.memory_space<hbm>>) dst(%arg6 : memref<10000x128xf32, #tpu.memory_space<vmem_shared>>)
        tpu.yield
      }) : () -> ()
    } else {
    }
    %barrier3A = arith.constant 0 : index
    tpu.barrier barrier_id(%barrier3A)
    %scan3A = arith.constant 0 : i32
    %scan3A_3 = arith.constant 79 : i32
    %scan3A_4 = arith.addi %scan3A, %scan3A_3 : i32
    %scan3A_5 = arith.constant 1 : i32
    scf.for %scan3A_13 = %scan3A to %scan3A_4 step %scan3A_5  : i32 {
      %mul3A_14 = arith.constant 32 : i32
      %mul3A_15 = arith.muli %mul3A_14, %scan3A_13 : i32
      %add3A_16 = arith.addi %add3A, %mul3A_15 : i32
      %lt3A = arith.constant 2500 : i32
      %lt3A_17 = arith.cmpi slt, %add3A_16, %lt3A : i32
      %convert_element_type3A_18 = arith.extui %lt3A_17 : i1 to i32
      %cond3A_19 = arith.constant 0 : i32
      %cond3A_20 = arith.cmpi ne, %convert_element_type3A_18, %cond3A_19 : i32
      scf.if %cond3A_20 {
        %mul3A_21 = arith.constant 128 : i32
        %mul3A_22 = arith.muli %add3A_16, %mul3A_21 : i32
        "tpu.region"() ({
          %run_scoped3A = tpu.sem_alloc : memref<!tpu.dma_semaphore, #tpu.memory_space<semaphore_mem>>
          %dma_start3A = tpu.memref_slice %arg3[%mul3A_22] : memref<320000xi32, #tpu.memory_space<hbm>> -> memref<128xi32, #tpu.memory_space<hbm>>
          %dma_start3A_23 = tpu.memref_slice %arg3[%mul3A_22] : memref<320000xi32, #tpu.memory_space<hbm>> -> memref<128xi32, #tpu.memory_space<hbm>>
          tpu.enqueue_dma source(%dma_start3A_23 : memref<128xi32, #tpu.memory_space<hbm>>) target(%arg7 : memref<128xi32, #tpu.memory_space<vmem>>) target_semaphore(%run_scoped3A : memref<!tpu.dma_semaphore, #tpu.memory_space<semaphore_mem>>)
          %dma_wait3A = tpu.memref_slice %arg3[%mul3A_22] : memref<320000xi32, #tpu.memory_space<hbm>> -> memref<128xi32, #tpu.memory_space<hbm>>
          %dma_wait3A_24 = tpu.memref_slice %arg3[%mul3A_22] : memref<320000xi32, #tpu.memory_space<hbm>> -> memref<128xi32, #tpu.memory_space<hbm>>
          tpu.wait_dma2 semaphore(%run_scoped3A : memref<!tpu.dma_semaphore, #tpu.memory_space<semaphore_mem>>) src(%dma_wait3A_24 : memref<128xi32, #tpu.memory_space<hbm>>) dst(%arg7 : memref<128xi32, #tpu.memory_space<vmem>>)
          tpu.yield
        }) : () -> ()
        "tpu.region"() ({
          %run_scoped3A = tpu.sem_alloc : memref<!tpu.dma_semaphore, #tpu.memory_space<semaphore_mem>>
          %dma_start3A = arith.constant 0 : i32
          %dma_start3A_23 = tpu.memref_slice %arg2[%mul3A_22, %dma_start3A] : memref<320000x128xf32, #tpu.memory_space<hbm>> -> memref<128x128xf32, #tpu.memory_space<hbm>>
          %dma_start3A_24 = arith.constant 0 : i32
          %dma_start3A_25 = tpu.memref_slice %arg2[%mul3A_22, %dma_start3A_24] : memref<320000x128xf32, #tpu.memory_space<hbm>> -> memref<128x128xf32, #tpu.memory_space<hbm>>
          tpu.enqueue_dma source(%dma_start3A_25 : memref<128x128xf32, #tpu.memory_space<hbm>>) target(%arg8 : memref<128x128xf32, #tpu.memory_space<vmem>>) target_semaphore(%run_scoped3A : memref<!tpu.dma_semaphore, #tpu.memory_space<semaphore_mem>>)
          %dma_wait3A = arith.constant 0 : i32
          %dma_wait3A_26 = tpu.memref_slice %arg2[%mul3A_22, %dma_wait3A] : memref<320000x128xf32, #tpu.memory_space<hbm>> -> memref<128x128xf32, #tpu.memory_space<hbm>>
          %dma_wait3A_27 = arith.constant 0 : i32
          %dma_wait3A_28 = tpu.memref_slice %arg2[%mul3A_22, %dma_wait3A_27] : memref<320000x128xf32, #tpu.memory_space<hbm>> -> memref<128x128xf32, #tpu.memory_space<hbm>>
          tpu.wait_dma2 semaphore(%run_scoped3A : memref<!tpu.dma_semaphore, #tpu.memory_space<semaphore_mem>>) src(%dma_wait3A_28 : memref<128x128xf32, #tpu.memory_space<hbm>>) dst(%arg8 : memref<128x128xf32, #tpu.memory_space<vmem>>)
          tpu.yield
        }) : () -> ()
        "tpu.region"() ({
          %run_scoped3A = tpu.sem_alloc : memref<!tpu.dma_semaphore, #tpu.memory_space<semaphore_mem>>
          %dma_start3A = arith.constant 0 : i32
          %dma_start3A_23 = arith.constant 0 : i32
          %dma_start3A_24 = tpu.memref_slice %arg6[%dma_start3A, %dma_start3A_23] : memref<10000x128xf32, #tpu.memory_space<vmem_shared>> -> memref<10000x128xf32, #tpu.memory_space<vmem_shared>>
          tpu.enqueue_indirect_dma source(%arg8 : memref<128x128xf32, #tpu.memory_space<vmem>>) target(%dma_start3A_24 : memref<10000x128xf32, #tpu.memory_space<vmem_shared>>) offsets(%arg7 : memref<128xi32, #tpu.memory_space<vmem>>) semaphore(%run_scoped3A : memref<!tpu.dma_semaphore, #tpu.memory_space<semaphore_mem>>) {add = true}
          %dma_wait3A = arith.constant 0 : i32
          %dma_wait3A_25 = arith.constant 0 : i32
          %dma_wait3A_26 = tpu.memref_slice %arg6[%dma_wait3A, %dma_wait3A_25] : memref<10000x128xf32, #tpu.memory_space<vmem_shared>> -> memref<10000x128xf32, #tpu.memory_space<vmem_shared>>
          tpu.wait_indirect_dma semaphore(%run_scoped3A : memref<!tpu.dma_semaphore, #tpu.memory_space<semaphore_mem>>) src(%arg8 : memref<128x128xf32, #tpu.memory_space<vmem>>) dst(%dma_wait3A_26 : memref<10000x128xf32, #tpu.memory_space<vmem_shared>>)
          tpu.yield
        }) : () -> ()
      } else {
      }
    }
    %scan3A_6 = arith.constant 79 : i32
    %barrier3A_7 = arith.constant 0 : index
    tpu.barrier barrier_id(%barrier3A_7)
    %eq3A_8 = arith.constant 0 : i32
    %eq3A_9 = arith.cmpi eq, %arg1, %eq3A_8 : i32
    %convert_element_type3A_10 = arith.extui %eq3A_9 : i1 to i32
    %cond3A_11 = arith.constant 0 : i32
    %cond3A_12 = arith.cmpi ne, %convert_element_type3A_10, %cond3A_11 : i32
    scf.if %cond3A_12 {
      "tpu.region"() ({
        %run_scoped3A = tpu.sem_alloc : memref<!tpu.dma_semaphore, #tpu.memory_space<semaphore_mem>>
        %dma_start3A = arith.constant 0 : i32
        %dma_start3A_13 = arith.constant 0 : i32
        %dma_start3A_14 = tpu.memref_slice %arg5[%arg0, %dma_start3A, %dma_start3A_13] : memref<2x10000x128xf32, #tpu.memory_space<hbm>> -> memref<1x10000x128xf32, #tpu.memory_space<hbm>>
        %dma_start3A_15 = tpu.memref_squeeze %dma_start3A_14 : memref<1x10000x128xf32, #tpu.memory_space<hbm>> -> memref<10000x128xf32, #tpu.memory_space<hbm>>
        tpu.enqueue_dma source(%arg6 : memref<10000x128xf32, #tpu.memory_space<vmem_shared>>) target(%dma_start3A_15 : memref<10000x128xf32, #tpu.memory_space<hbm>>) target_semaphore(%run_scoped3A : memref<!tpu.dma_semaphore, #tpu.memory_space<semaphore_mem>>)
        %dma_wait3A = arith.constant 0 : i32
        %dma_wait3A_16 = arith.constant 0 : i32
        %dma_wait3A_17 = tpu.memref_slice %arg5[%arg0, %dma_wait3A, %dma_wait3A_16] : memref<2x10000x128xf32, #tpu.memory_space<hbm>> -> memref<1x10000x128xf32, #tpu.memory_space<hbm>>
        %dma_wait3A_18 = tpu.memref_squeeze %dma_wait3A_17 : memref<1x10000x128xf32, #tpu.memory_space<hbm>> -> memref<10000x128xf32, #tpu.memory_space<hbm>>
        tpu.wait_dma2 semaphore(%run_scoped3A : memref<!tpu.dma_semaphore, #tpu.memory_space<semaphore_mem>>) src(%arg6 : memref<10000x128xf32, #tpu.memory_space<vmem_shared>>) dst(%dma_wait3A_18 : memref<10000x128xf32, #tpu.memory_space<hbm>>)
        tpu.yield
      }) : () -> ()
    } else {
    }
    return
  }
}

module attributes {stable_mosaic.version = 14 : i64} {
  func.func @_pre_body(%arg0: memref<10000x128xf32, #tpu.memory_space<vmem>>, %arg1: memref<128x128xf32, #tpu.memory_space<vmem>>, %arg2: memref<128x128xf32, #tpu.memory_space<vmem>>, %arg3: memref<10000x128xf32, #tpu.memory_space<vmem>>, %arg4: memref<10000x128xf32, #tpu.memory_space<vmem>>) attributes {dimension_semantics = [], scalar_prefetch = 0 : i64, scratch_operands = 0 : i64, tpu.core_type = #tpu.core_type<tc>} {
    %get3A = arith.constant 0 : index
    %get3A_0 = arith.constant 0 : index
    %get3A_1 = vector.load %arg0[%get3A, %get3A_0] : memref<10000x128xf32, #tpu.memory_space<vmem>>, vector<10000x128xf32>
    %get3A_2 = arith.constant 0 : index
    %get3A_3 = arith.constant 0 : index
    %get3A_4 = vector.load %arg1[%get3A_2, %get3A_3] : memref<128x128xf32, #tpu.memory_space<vmem>>, vector<128x128xf32>
    %dot_general3A = arith.constant dense<0.000000e+00> : vector<10000x128xf32>
    %dot_general3A_5 = tpu.matmul %get3A_1, %get3A_4, %dot_general3A {dimension_numbers = #tpu.dot_dimension_numbers<[1], [0], [0], [1], [0, 0, 1, 1], [], []>, transpose_lhs_hint = false} : vector<10000x128xf32>, vector<128x128xf32>, vector<10000x128xf32> -> vector<10000x128xf32>
    %swap3A = arith.constant 0 : index
    %swap3A_6 = arith.constant 0 : index
    %swap3A_7 = vector.load %arg3[%swap3A, %swap3A_6] : memref<10000x128xf32, #tpu.memory_space<vmem>>, vector<10000x128xf32>
    tpu.vector_store %arg3[%swap3A, %swap3A_6], %dot_general3A_5 {strides = array<i32>} : memref<10000x128xf32, #tpu.memory_space<vmem>>, vector<10000x128xf32>,
    %get3A_8 = arith.constant 0 : index
    %get3A_9 = arith.constant 0 : index
    %get3A_10 = vector.load %arg2[%get3A_8, %get3A_9] : memref<128x128xf32, #tpu.memory_space<vmem>>, vector<128x128xf32>
    %dot_general3A_11 = arith.constant dense<0.000000e+00> : vector<10000x128xf32>
    %dot_general3A_12 = tpu.matmul %get3A_1, %get3A_10, %dot_general3A_11 {dimension_numbers = #tpu.dot_dimension_numbers<[1], [0], [0], [1], [0, 0, 1, 1], [], []>, transpose_lhs_hint = false} : vector<10000x128xf32>, vector<128x128xf32>, vector<10000x128xf32> -> vector<10000x128xf32>
    %swap3A_13 = arith.constant 0 : index
    %swap3A_14 = arith.constant 0 : index
    %swap3A_15 = vector.load %arg4[%swap3A_13, %swap3A_14] : memref<10000x128xf32, #tpu.memory_space<vmem>>, vector<10000x128xf32>
    tpu.vector_store %arg4[%swap3A_13, %swap3A_14], %dot_general3A_12 {strides = array<i32>} : memref<10000x128xf32, #tpu.memory_space<vmem>>, vector<10000x128xf32>,
    return
  }
}

module attributes {stable_mosaic.version = 14 : i64} {
  func.func @_edge_body(%arg0: i32, %arg1: memref<3200x128xf32, #tpu.memory_space<vmem>>, %arg2: memref<3200x128xf32, #tpu.memory_space<vmem>>, %arg3: memref<3200x128xf32, #tpu.memory_space<vmem>>, %arg4: memref<128x128xf32, #tpu.memory_space<vmem>>, %arg5: memref<1x128xf32, #tpu.memory_space<vmem>>, %arg6: memref<128x128xf32, #tpu.memory_space<vmem>>, %arg7: memref<1x128xf32, #tpu.memory_space<vmem>>, %arg8: memref<3200x128xf32, #tpu.memory_space<vmem>>, %arg9: memref<3200x128xf32, #tpu.memory_space<vmem>>) attributes {dimension_semantics = [#tpu.dimension_semantics<arbitrary>], iteration_bounds = array<i64: 100>, scalar_prefetch = 0 : i64, scratch_operands = 0 : i64, tpu.core_type = #tpu.core_type<tc>, window_params = [{transform_indices = @transform_0, window_bounds = array<i64: 3200, 128>}, {transform_indices = @transform_1, window_bounds = array<i64: 3200, 128>}, {transform_indices = @transform_2, window_bounds = array<i64: 3200, 128>}, {pipeline_mode = #tpu.pipeline_mode<synchronous>, transform_indices = @transform_3, window_bounds = array<i64: 128, 128>}, {pipeline_mode = #tpu.pipeline_mode<synchronous>, transform_indices = @transform_4, window_bounds = array<i64: 1, 128>}, {pipeline_mode = #tpu.pipeline_mode<synchronous>, transform_indices = @transform_5, window_bounds = array<i64: 128, 128>}, {pipeline_mode = #tpu.pipeline_mode<synchronous>, transform_indices = @transform_6, window_bounds = array<i64: 1, 128>}, {transform_indices = @transform_7, window_bounds = array<i64: 3200, 128>}, {transform_indices = @transform_8, window_bounds = array<i64: 3200, 128>}]} {
    %get3A = arith.constant 0 : index
    %get3A_0 = arith.constant 0 : index
    %get3A_1 = vector.load %arg3[%get3A, %get3A_0] : memref<3200x128xf32, #tpu.memory_space<vmem>>, vector<3200x128xf32>
    %get3A_2 = arith.constant 0 : index
    %get3A_3 = arith.constant 0 : index
    %get3A_4 = vector.load %arg1[%get3A_2, %get3A_3] : memref<3200x128xf32, #tpu.memory_space<vmem>>, vector<3200x128xf32>
    %get3A_5 = arith.constant 0 : index
    %get3A_6 = arith.constant 0 : index
    %get3A_7 = vector.load %arg2[%get3A_5, %get3A_6] : memref<3200x128xf32, #tpu.memory_space<vmem>>, vector<3200x128xf32>
    %add3A = arith.addf %get3A_4, %get3A_7 : vector<3200x128xf32>
    %get3A_8 = arith.constant 0 : index
    %get3A_9 = arith.constant 0 : index
    %get3A_10 = vector.load %arg5[%get3A_8, %get3A_9] : memref<1x128xf32, #tpu.memory_space<vmem>>, vector<1x128xf32>
    %add3A_11 = vector.broadcast %get3A_10 : vector<1x128xf32> to vector<3200x128xf32>
    %add3A_12 = arith.addf %add3A, %add3A_11 : vector<3200x128xf32>
    %get3A_13 = arith.constant 0 : index
    %get3A_14 = arith.constant 0 : index
    %get3A_15 = vector.load %arg4[%get3A_13, %get3A_14] : memref<128x128xf32, #tpu.memory_space<vmem>>, vector<128x128xf32>
    %dot_general3A = arith.constant dense<0.000000e+00> : vector<3200x128xf32>
    %dot_general3A_16 = tpu.matmul %get3A_1, %get3A_15, %dot_general3A {dimension_numbers = #tpu.dot_dimension_numbers<[1], [0], [0], [1], [0, 0, 1, 1], [], []>, transpose_lhs_hint = false} : vector<3200x128xf32>, vector<128x128xf32>, vector<3200x128xf32> -> vector<3200x128xf32>
    %add3A_17 = arith.addf %add3A_12, %dot_general3A_16 : vector<3200x128xf32>
    %max3A = arith.constant 0.000000e+00 : f32
    %max3A_18 = vector.broadcast %max3A : f32 to vector<3200x128xf32>
    %max3A_19 = arith.maximumf %add3A_17, %max3A_18 : vector<3200x128xf32>
    %get3A_20 = arith.constant 0 : index
    %get3A_21 = arith.constant 0 : index
    %get3A_22 = vector.load %arg6[%get3A_20, %get3A_21] : memref<128x128xf32, #tpu.memory_space<vmem>>, vector<128x128xf32>
    %dot_general3A_23 = arith.constant dense<0.000000e+00> : vector<3200x128xf32>
    %dot_general3A_24 = tpu.matmul %max3A_19, %get3A_22, %dot_general3A_23 {dimension_numbers = #tpu.dot_dimension_numbers<[1], [0], [0], [1], [0, 0, 1, 1], [], []>, transpose_lhs_hint = false} : vector<3200x128xf32>, vector<128x128xf32>, vector<3200x128xf32> -> vector<3200x128xf32>
    %get3A_25 = arith.constant 0 : index
    %get3A_26 = arith.constant 0 : index
    %get3A_27 = vector.load %arg7[%get3A_25, %get3A_26] : memref<1x128xf32, #tpu.memory_space<vmem>>, vector<1x128xf32>
    %add3A_28 = vector.broadcast %get3A_27 : vector<1x128xf32> to vector<3200x128xf32>
    %add3A_29 = arith.addf %dot_general3A_24, %add3A_28 : vector<3200x128xf32>
    %swap3A = arith.constant 0 : index
    %swap3A_30 = arith.constant 0 : index
    %swap3A_31 = vector.load %arg8[%swap3A, %swap3A_30] : memref<3200x128xf32, #tpu.memory_space<vmem>>, vector<3200x128xf32>
    tpu.vector_store %arg8[%swap3A, %swap3A_30], %add3A_29 {strides = array<i32>} : memref<3200x128xf32, #tpu.memory_space<vmem>>, vector<3200x128xf32>,
    %add3A_32 = arith.addf %add3A_29, %get3A_1 : vector<3200x128xf32>
    %swap3A_33 = arith.constant 0 : index
    %swap3A_34 = arith.constant 0 : index
    %swap3A_35 = vector.load %arg9[%swap3A_33, %swap3A_34] : memref<3200x128xf32, #tpu.memory_space<vmem>>, vector<3200x128xf32>
    tpu.vector_store %arg9[%swap3A_33, %swap3A_34], %add3A_32 {strides = array<i32>} : memref<3200x128xf32, #tpu.memory_space<vmem>>, vector<3200x128xf32>,
    return
  }
  func.func @transform_0(%arg0: i32) -> (i32, i32) {
    %c0_i32 = arith.constant 0 : i32
    %c0_i32_0 = arith.constant 0 : i32
    return %arg0, %c0_i32 : i32, i32
  }
  func.func @transform_1(%arg0: i32) -> (i32, i32) {
    %c0_i32 = arith.constant 0 : i32
    %c0_i32_0 = arith.constant 0 : i32
    return %arg0, %c0_i32 : i32, i32
  }
  func.func @transform_2(%arg0: i32) -> (i32, i32) {
    %c0_i32 = arith.constant 0 : i32
    %c0_i32_0 = arith.constant 0 : i32
    return %arg0, %c0_i32 : i32, i32
  }
  func.func @transform_3(%arg0: i32) -> (i32, i32) {
    %c0_i32 = arith.constant 0 : i32
    %c0_i32_0 = arith.constant 0 : i32
    %c0_i32_1 = arith.constant 0 : i32
    return %c0_i32, %c0_i32_0 : i32, i32
  }
  func.func @transform_4(%arg0: i32) -> (i32, i32) {
    %c0_i32 = arith.constant 0 : i32
    %c0_i32_0 = arith.constant 0 : i32
    %c0_i32_1 = arith.constant 0 : i32
    return %c0_i32, %c0_i32_0 : i32, i32
  }
  func.func @transform_5(%arg0: i32) -> (i32, i32) {
    %c0_i32 = arith.constant 0 : i32
    %c0_i32_0 = arith.constant 0 : i32
    %c0_i32_1 = arith.constant 0 : i32
    return %c0_i32, %c0_i32_0 : i32, i32
  }
  func.func @transform_6(%arg0: i32) -> (i32, i32) {
    %c0_i32 = arith.constant 0 : i32
    %c0_i32_0 = arith.constant 0 : i32
    %c0_i32_1 = arith.constant 0 : i32
    return %c0_i32, %c0_i32_0 : i32, i32
  }
  func.func @transform_7(%arg0: i32) -> (i32, i32) {
    %c0_i32 = arith.constant 0 : i32
    %c0_i32_0 = arith.constant 0 : i32
    return %arg0, %c0_i32 : i32, i32
  }
  func.func @transform_8(%arg0: i32) -> (i32, i32) {
    %c0_i32 = arith.constant 0 : i32
    %c0_i32_0 = arith.constant 0 : i32
    return %arg0, %c0_i32 : i32, i32
  }
}

module attributes {stable_mosaic.version = 14 : i64} {
  func.func @_node_body(%arg0: memref<2x10000x128xf32, #tpu.memory_space<vmem>>, %arg1: memref<10000x128xf32, #tpu.memory_space<vmem>>, %arg2: memref<128x128xf32, #tpu.memory_space<vmem>>, %arg3: memref<128x128xf32, #tpu.memory_space<vmem>>, %arg4: memref<1x128xf32, #tpu.memory_space<vmem>>, %arg5: memref<128x128xf32, #tpu.memory_space<vmem>>, %arg6: memref<1x128xf32, #tpu.memory_space<vmem>>, %arg7: memref<10000x128xf32, #tpu.memory_space<vmem>>) attributes {dimension_semantics = [], scalar_prefetch = 0 : i64, scratch_operands = 0 : i64, tpu.core_type = #tpu.core_type<tc>} {
    %get3A = arith.constant 0 : index
    %get3A_0 = arith.constant 0 : index
    %get3A_1 = arith.constant 0 : index
    %get3A_2 = vector.load %arg0[%get3A, %get3A_0, %get3A_1] : memref<2x10000x128xf32, #tpu.memory_space<vmem>>, vector<1x10000x128xf32>
    %get3A_3 = vector.shape_cast %get3A_2 : vector<1x10000x128xf32> to vector<10000x128xf32>
    %get3A_4 = arith.constant 1 : index
    %get3A_5 = arith.constant 0 : index
    %get3A_6 = arith.constant 0 : index
    %get3A_7 = vector.load %arg0[%get3A_4, %get3A_5, %get3A_6] : memref<2x10000x128xf32, #tpu.memory_space<vmem>>, vector<1x10000x128xf32>
    %get3A_8 = vector.shape_cast %get3A_7 : vector<1x10000x128xf32> to vector<10000x128xf32>
    %add3A = arith.addf %get3A_3, %get3A_8 : vector<10000x128xf32>
    %reduce_sum3A = arith.constant dense<0.000000e+00> : vector<128xf32>
    %reduce_sum3A_9 = vector.multi_reduction <add>, %add3A, %reduce_sum3A [0] : vector<10000x128xf32> to vector<128xf32>
    %broadcast_in_dim3A = vector.shape_cast %reduce_sum3A_9 : vector<128xf32> to vector<1x128xf32>
    %div3A = arith.constant 1.000000e+04 : f32
    %div3A_10 = vector.broadcast %div3A : f32 to vector<1x128xf32>
    %div3A_11 = arith.divf %broadcast_in_dim3A, %div3A_10 : vector<1x128xf32>
    %sub3A = vector.broadcast %div3A_11 : vector<1x128xf32> to vector<10000x128xf32>
    %sub3A_12 = arith.subf %add3A, %sub3A : vector<10000x128xf32>
    %get3A_13 = arith.constant 0 : index
    %get3A_14 = arith.constant 0 : index
    %get3A_15 = vector.load %arg1[%get3A_13, %get3A_14] : memref<10000x128xf32, #tpu.memory_space<vmem>>, vector<10000x128xf32>
    %get3A_16 = arith.constant 0 : index
    %get3A_17 = arith.constant 0 : index
    %get3A_18 = vector.load %arg2[%get3A_16, %get3A_17] : memref<128x128xf32, #tpu.memory_space<vmem>>, vector<128x128xf32>
    %dot_general3A = arith.constant dense<0.000000e+00> : vector<10000x128xf32>
    %dot_general3A_19 = tpu.matmul %get3A_15, %get3A_18, %dot_general3A {dimension_numbers = #tpu.dot_dimension_numbers<[1], [0], [0], [1], [0, 0, 1, 1], [], []>, transpose_lhs_hint = false} : vector<10000x128xf32>, vector<128x128xf32>, vector<10000x128xf32> -> vector<10000x128xf32>
    %get3A_20 = arith.constant 0 : index
    %get3A_21 = arith.constant 0 : index
    %get3A_22 = vector.load %arg3[%get3A_20, %get3A_21] : memref<128x128xf32, #tpu.memory_space<vmem>>, vector<128x128xf32>
    %dot_general3A_23 = arith.constant dense<0.000000e+00> : vector<10000x128xf32>
    %dot_general3A_24 = tpu.matmul %sub3A_12, %get3A_22, %dot_general3A_23 {dimension_numbers = #tpu.dot_dimension_numbers<[1], [0], [0], [1], [0, 0, 1, 1], [], []>, transpose_lhs_hint = false} : vector<10000x128xf32>, vector<128x128xf32>, vector<10000x128xf32> -> vector<10000x128xf32>
    %add3A_25 = arith.addf %dot_general3A_19, %dot_general3A_24 : vector<10000x128xf32>
    %get3A_26 = arith.constant 0 : index
    %get3A_27 = arith.constant 0 : index
    %get3A_28 = vector.load %arg4[%get3A_26, %get3A_27] : memref<1x128xf32, #tpu.memory_space<vmem>>, vector<1x128xf32>
    %add3A_29 = vector.broadcast %get3A_28 : vector<1x128xf32> to vector<10000x128xf32>
    %add3A_30 = arith.addf %add3A_25, %add3A_29 : vector<10000x128xf32>
    %max3A = arith.constant 0.000000e+00 : f32
    %max3A_31 = vector.broadcast %max3A : f32 to vector<10000x128xf32>
    %max3A_32 = arith.maximumf %add3A_30, %max3A_31 : vector<10000x128xf32>
    %get3A_33 = arith.constant 0 : index
    %get3A_34 = arith.constant 0 : index
    %get3A_35 = vector.load %arg5[%get3A_33, %get3A_34] : memref<128x128xf32, #tpu.memory_space<vmem>>, vector<128x128xf32>
    %dot_general3A_36 = arith.constant dense<0.000000e+00> : vector<10000x128xf32>
    %dot_general3A_37 = tpu.matmul %max3A_32, %get3A_35, %dot_general3A_36 {dimension_numbers = #tpu.dot_dimension_numbers<[1], [0], [0], [1], [0, 0, 1, 1], [], []>, transpose_lhs_hint = false} : vector<10000x128xf32>, vector<128x128xf32>, vector<10000x128xf32> -> vector<10000x128xf32>
    %get3A_38 = arith.constant 0 : index
    %get3A_39 = arith.constant 0 : index
    %get3A_40 = vector.load %arg6[%get3A_38, %get3A_39] : memref<1x128xf32, #tpu.memory_space<vmem>>, vector<1x128xf32>
    %add3A_41 = vector.broadcast %get3A_40 : vector<1x128xf32> to vector<10000x128xf32>
    %add3A_42 = arith.addf %dot_general3A_37, %add3A_41 : vector<10000x128xf32>
    %add3A_43 = arith.addf %add3A_42, %get3A_15 : vector<10000x128xf32>
    %reduce_sum3A_44 = arith.constant dense<0.000000e+00> : vector<128xf32>
    %reduce_sum3A_45 = vector.multi_reduction <add>, %add3A_43, %reduce_sum3A_44 [0] : vector<10000x128xf32> to vector<128xf32>
    %broadcast_in_dim3A_46 = vector.shape_cast %reduce_sum3A_45 : vector<128xf32> to vector<1x128xf32>
    %div3A_47 = arith.constant 1.000000e+04 : f32
    %div3A_48 = vector.broadcast %div3A_47 : f32 to vector<1x128xf32>
    %div3A_49 = arith.divf %broadcast_in_dim3A_46, %div3A_48 : vector<1x128xf32>
    %sub3A_50 = vector.broadcast %div3A_49 : vector<1x128xf32> to vector<10000x128xf32>
    %sub3A_51 = arith.subf %add3A_43, %sub3A_50 : vector<10000x128xf32>
    %swap3A = arith.constant 0 : index
    %swap3A_52 = arith.constant 0 : index
    %swap3A_53 = vector.load %arg7[%swap3A, %swap3A_52] : memref<10000x128xf32, #tpu.memory_space<vmem>>, vector<10000x128xf32>
    tpu.vector_store %arg7[%swap3A, %swap3A_52], %sub3A_51 {strides = array<i32>} : memref<10000x128xf32, #tpu.memory_space<vmem>>, vector<10000x128xf32>,
    return
  }
}

</mosaic_0001>

<sc_bundles>
// kernel: kernel.10.cloned.1.call-start
scs
__scs_entry_jumppad:
0x0: {  	(pc) =	sbr.rel $0x88, $3  }
0x1: {  	(tag) =	ssettag $0x0;
	lr =	simm.s32 $0x1  }
0x2: {  	[smem:$0x3F96] =	sst lr;
	_ =	strace $0xD0000000  }
0x3: {  	_ = 	snop  }
0x4: {  	_ = 	snop  }
0x5: {  	_ = 	snop  }
0x6: {  	_ = 	snop  }
0x7: {  	_ = 	snop  }
__scs_overlays_trampoline_lowered:
0x8: {  	[smem:$0x3FA5] =	sst s0  }
0x9: {  	[smem:$0x3FA6] =	sst s1  }
0xa: {  	[smem:$0x3FA7] =	sst s2  }
0xb: {  	[smem:$0x3FA8] =	sst s3  }
0xc: {  	[smem:$0x3FA9] =	sst s4  }
0xd: {  	[smem:$0x3FAA] =	sst s5  }
0xe: {  	[smem:$0x3FAB] =	sst s6  }
0xf: {  	[smem:$0x3FAC] =	sst s7  }
0x10: {  	[smem:$0x3FAD] =	sst s8  }
0x11: {  	[smem:$0x3FAE] =	sst s9;
	s0 =	simm.s32 @!p0 $0x0  }
0x12: {  	s1 =	sld [smem:$0x3F94];
	s0 =	simm.s32 @p0 $0x1  }
0x13: {  	[smem:$0x3FAF] =	sst s0;
	s0 =	simm.s32 @!p1 $0x0  }
0x14: {  	s2 =	sld [smem:$0x3F93];
	s0 =	simm.s32 @p1 $0x1  }
0x15: {  	[smem:$0x3FB0] =	sst s0;
	s0 =	simm.s32 @!p2 $0x0  }
0x16: {  	s3 =	sld [smem:$0x3FDB];
	s0 =	simm.s32 @p2 $0x1  }
0x17: {  	s4 =	simm.s32 $0x1BF5;
	[smem:$0x3FB2] =	sst s0  }
0x18: {  	s0 =	sld [smem:$0x3F95];
	_ =	swait.ge [sflag:s4], $0x0  }
0x19: {  	s7 =	sld [smem:$0x3F96]  }
0x1a: {  	s8 =	sadd.s32 $0xFFFFE003, lr  }
0x1b: {  	s9 =	sadd.s32 $0xFFFFFEF7, lr;
	s5 =	simm.s32 $0xFFFFFFFF;
	p2 =	slt.u32 s8, $0xFFFFF086  }
0x1c: {  	p1 =	slt.u32 s9, $0xF7A;
	s5 =	simm.s32 @!p2 $0x0  }
0x1d: {  	s5 =	simm.s32 @p1 $0x1;
	p0 =	seq.s32 s7, s2  }
0x1e: {  	s7 =	smul.u32 @!p0 $0xF7A, s2;
	p2 =	seq.s32 @!p0 s5, $0x0  }
0x1f: {  	s9 =	smul.u32 $0xF7A, s1;
	s8 =	simm.s32 @!p0 $0x1BF5;
	p2 =	por !p2, p0  }
0x20: {  	[sflag:s8] =	ssyncset.s32 @!p0 $0xFFFFF086;
	s6 =	sadd.s32 @!p0 s3, s7;
	s7 =	simm.s32 @!p0 $0x108  }
0x21: {  	s3 =	sadd.s32 s3, s9;
	s6 =	sadd.s32 @!p0 $0x88, s6;
	s7 =	simm.s32 @p2 $0x1082  }
0x22: {  	[simem:s7], [sflag:s8] =	dma.local @!p0 [hbm:s6], $0xF7A  }
0x23: {  	s9 =	sor.u32 $0xD0000000, s2;
	s6 =	simm.s32 $0x108;
	_ =	swait.ge @!p0 [sflag:s8], $0x0  }
0x24: {  	s3 =	sadd.s32 $0x88, s3;
	s6 =	simm.s32 @!p1 $0x1082;
	[sflag:s4] =	ssyncset.s32 $0xFFFFF086  }
0x25: {  	[simem:s6], [sflag:s4] =	dma.local [hbm:s3], $0xF7A  }
0x26: {  	[smem:$0x3F96] =	sst s1;
	(tag) =	ssettag s2;
	_ =	strace s9  }
0x27: {  	s1 =	sld [smem:$0x3FA6]  }
0x28: {  	s2 =	sld [smem:$0x3FA7]  }
0x29: {  	s4 =	sld [smem:$0x3FA9]  }
0x2a: {  	p0 =	seq.s32 s5, $0x0;
	s5 =	sld [smem:$0x3FAA]  }
0x2b: {  	s6 =	sld [smem:$0x3FAB]  }
0x2c: {  	s7 =	sld [smem:$0x3FAC]  }
0x2d: {  	s3 =	simm.s32 $0x108;
	s8 =	sld [smem:$0x3FAD]  }
0x2e: {  	s3 =	simm.s32 @!p0 $0x1082;
	s9 =	sld [smem:$0x3FAE]  }
0x2f: {  	lr =	sadd.s32 s0, s3;
	s0 =	sld [smem:$0x3FA5]  }
0x30: {  	s3 =	sld [smem:$0x3FA8]  }
0x31: {  	[smem:$0x3FB1] =	sst s10  }
0x32: {  	s10 =	sld [smem:$0x3FAF];
	_ =	sdelay $0x3  }
0x33: {  	p0 =	seq.s32 s10, $0x1;
	s10 =	sld [smem:$0x3FB1];
	_ =	sdelay $0x3  }
0x34: {  	[smem:$0x3FB1] =	sst s10  }
0x35: {  	s10 =	sld [smem:$0x3FB0];
	_ =	sdelay $0x3  }
0x36: {  	p1 =	seq.s32 s10, $0x1;
	s10 =	sld [smem:$0x3FB1];
	_ =	sdelay $0x3  }
0x37: {  	[smem:$0x3FB1] =	sst s10  }
0x38: {  	s10 =	sld [smem:$0x3FB2]  }
0x39: {  	_ = 	snop;
	(pc) =	sbr.ind lr, $3  }
0x3a: {  	_ = 	snop  }
0x3b: {  	_ = 	snop  }
0x3c: {  	p2 =	seq.s32 s10, $0x1;
	s10 =	sld [smem:$0x3FB1]  }
0x3d: {  	_ =	shalt  }
0x3e: {  	_ =	shalt  }
0x3f: {  	_ =	shalt  }
0x40: {  	_ =	shalt  }
0x41: {  	_ =	shalt  }
0x42: {  	_ =	shalt  }
0x43: {  	_ =	shalt  }
0x44: {  	_ =	shalt  }
0x45: {  	_ =	shalt  }
0x46: {  	_ =	shalt  }
0x47: {  	_ =	shalt  }
0x48: {  	_ =	shalt  }
0x49: {  	_ =	shalt  }
0x4a: {  	_ =	shalt  }
0x4b: {  	_ =	shalt  }
0x4c: {  	_ =	shalt  }
0x4d: {  	_ =	shalt  }
0x4e: {  	_ =	shalt  }
0x4f: {  	_ =	shalt  }
0x50: {  	_ =	shalt  }
0x51: {  	_ =	shalt  }
0x52: {  	_ =	shalt  }
0x53: {  	_ =	shalt  }
0x54: {  	_ =	shalt  }
0x55: {  	_ =	shalt  }
0x56: {  	_ =	shalt  }
0x57: {  	_ =	shalt  }
0x58: {  	_ =	shalt  }
0x59: {  	_ =	shalt  }
0x5a: {  	_ =	shalt  }
0x5b: {  	_ =	shalt  }
0x5c: {  	_ =	shalt  }
0x5d: {  	_ =	shalt  }
0x5e: {  	_ =	shalt  }
0x5f: {  	_ =	shalt  }
0x60: {  	_ =	shalt  }
0x61: {  	_ =	shalt  }
0x62: {  	_ =	shalt  }
0x63: {  	_ =	shalt  }
0x64: {  	_ =	shalt  }
0x65: {  	_ =	shalt  }
0x66: {  	_ =	shalt  }
0x67: {  	_ =	shalt  }
0x68: {  	_ =	shalt  }
0x69: {  	_ =	shalt  }
0x6a: {  	_ =	shalt  }
0x6b: {  	_ =	shalt  }
0x6c: {  	_ =	shalt  }
0x6d: {  	_ =	shalt  }
0x6e: {  	_ =	shalt  }
0x6f: {  	_ =	shalt  }
0x70: {  	_ =	shalt  }
0x71: {  	_ =	shalt  }
0x72: {  	_ =	shalt  }
0x73: {  	_ =	shalt  }
0x74: {  	_ =	shalt  }
0x75: {  	_ =	shalt  }
0x76: {  	_ =	shalt  }
0x77: {  	_ =	shalt  }
0x78: {  	_ =	shalt  }
0x79: {  	_ =	shalt  }
0x7a: {  	_ =	shalt  }
0x7b: {  	_ =	shalt  }
0x7c: {  	_ =	shalt  }
0x7d: {  	_ =	shalt  }
0x7e: {  	_ =	shalt  }
0x7f: {  	_ =	shalt  }
0x80: {  	_ =	shalt  }
0x81: {  	_ =	shalt  }
0x82: {  	_ =	shalt  }
0x83: {  	_ =	shalt  }
0x84: {  	_ =	shalt  }
0x85: {  	_ =	shalt  }
0x86: {  	_ =	shalt  }
0x87: {  	_ =	shalt  }
.Lfunc_end0:
.L_simem_size_0:
called_computation.1_lowered:
.L_overlay_start_0:
0x88: {  	s2 =	sld [smem:$0x3FD9]  }
0x89: {  	s3 =	sld [smem:$0x3FFE];
	_ =	sdelay $0x1  }
0x8a: {  	s1 =	srdreg.scid  }
0x8b: {  	s0 =	sand.u32 $0x1, s1  }
0x8c: {  	s14 =	sshll.u32 s0, $0xA;
	s2 =	sadd.s32 s3, s2  }
0x8d: {  	s2 =	sadd.s32 s2, s14  }
0x8e: {  	[smem:$0x3FBD] =	sst s2  }
0x8f: {  	_ = 	snop  }
0x90: {  	s2 =	sld [smem:$0x3FD0];
	_ =	sdelay $0x2  }
0x91: {  	s15 =	simm.s32 $0xA;
	s4 =	simm.s32 $0x10  }
0x92: {  	[smem:s4], [sflag:s15] =	dma.local [hbm:s2], $0x1  }
0x93: {  	_ =	swait.eq [sflag:s15], $0x1  }
0x94: {  	[sflag:s15] =	ssyncset.done $0x0  }
0x95: {  	s16 =	sld [smem:$0x10];
	[sflag:s15] =	ssyncadd.s32 $0xFFFFFFFF  }
0x96: {  	s17 =	sld [smem:$0x11];
	(tm) =	ssettm $0x1  }
0x97: {  	s18 =	sld [smem:$0x3FFB];
	_ =	sdelay $0x3  }
0x98: {  	_ =	strace s18  }
0x99: {  	s4 =	sld [smem:$0x3FFC];
	_ =	sdelay $0x3  }
0x9a: {  	_ =	strace s4  }
0x9b: {  	s4 =	sld [smem:$0x3FFD];
	_ =	sdelay $0x3  }
0x9c: {  	_ =	strace s4  }
0x9d: {  	_ =	strace $0x8FFFFFFF  }
0x9e: {  	s19 =	sld [smem:$0x3FDB];
	_ =	sdelay $0x1  }
0x9f: {  	s5 =	simm.s32 $_scs_section_size  }
0xa0: {  	s6 =	simm.s32 $_size__tile_overlayer_lowered;
	s7 =	simm.s32 $_tile_overlayer_lowered  }
0xa1: {  	s22 =	simm.s32 $0x1BFF;
	s21 =	sshll.u32 s7, $0x1;
	s4 =	sadd.s32 s5, s19  }
0xa2: {  	s8 =	simm.s32 $0x0;
	s20 =	sshll.u32 s6, $0x1;
	s6 =	sadd.s32 s21, s4  }
0xa3: {  	[timem:s8], [sflag:s22] =	dma.local [hbm:s6], s20  }
0xa4: {  	_ =	swait.ge [sflag:s22], s20  }
0xa5: {  	s5 =	ssub.s32 $0x0, s20;
	[sflag:s22] =	ssyncset.done $0x0  }
0xa6: {  	[sflag:s22] =	ssyncadd.s32 s5;
	_ =	sdelay $0x1  }
0xa7: {  	s23 =	simm.s32 $0x1B8B  }
0xa8: {  	_ =	swait.ge [sflag:s23], $0x1  }
0xa9: {  	[sflag:s23] =	ssyncset.done $0x0  }
0xaa: {  	s25 =	simm.s32 $0x1B8E;
	s24 =	sld [smem:$0x3FFE];
	[sflag:s23] =	ssyncadd.s32 $0xFFFFFFFF  }
0xab: {  	s26 =	simm.s32 $execute0_lowered;
	[smem:$0x3FD2] =	sst s25  }
0xac: {  	s6 =	sshll.u32 s26, $0x1;
	_ =	strace $0x80000049;
	[dreg:$0x1] =	wrdreg $0xFFFFFFFF  }
0xad: {  	s28 =	simm.s32 $_size_execute0_lowered;
	s4 =	sadd.s32 s4, s6;
	[dreg:$0x0] =	wrdreg $0x0  }
0xae: {  	s6 =	sshll.u32 s28, $0x1;
	[dreg:$0x2] =	wrdreg s4  }
0xaf: {  	[dreg:$0x3] =	wrdreg s6  }
0xb0: {  	[dreg:$0x4] =	wrdreg $0xC0  }
0xb1: {  	_ =	task [dreg:s8], $0x5FFFF  }
0xb2: {  	[dreg:$0x1] =	wrdreg $0xFFFFFFFF  }
0xb3: {  	[dreg:$0x0] =	wrdreg $0x60  }
0xb4: {  	[dreg:$0x2] =	wrdreg s24  }
0xb5: {  	[dreg:$0x3] =	wrdreg s17  }
0xb6: {  	[dreg:$0x4] =	wrdreg s16  }
0xb7: {  	[dreg:$0x5] =	wrdreg $0x0  }
0xb8: {  	[dreg:$0x6] =	wrdreg $0x9  }
0xb9: {  	_ =	task.clear_ibuf [dreg:s8], $0x7FFFF;
	_ =	strace $0x90000049  }
0xba: {  	s29 =	simm.s32 $0x9;
	_ =	strace $0x8000004B  }
0xbb: {  	_ =	swait.ge [sflag:s29], $0x1  }
0xbc: {  	[sflag:s29] =	ssyncadd.s32 $0xFFFFFFFF  }
0xbd: {  	_ =	strace $0x9000004B  }
0xbe: {  	_ =	sfence  }
0xbf: {  	s30 =	sld [smem:$0x0];
	_ =	sdelay $0x2  }
0xc0: {  	s31 =	sshll.u32 s1, $0xD;
	s1 =	sshrl.u32 s1, $0x2  }
0xc1: {  	s3 =	sand.u32 $0x4000, s31;
	s1 =	sadd.s32 s1, s30  }
0xc2: {  	s0 =	sor.u32 s3, s0;
	s1 =	sshll.u32 s1, $0x11  }
0xc3: {  	s0 =	sor.u32 s1, s0  }
0xc4: {  	s0 =	sadd.s32 $0x8F2B, s0  }
0xc5: {  	[sflag:s0] =	ssyncadd.remote.s32 $0x1  }
0xc6: {  	_ =	sfence.sel $0xFFFF  }
0xc7: {  	[dreg:$0x0] =	wrdreg $0xFFFFFFFF;
	(pc) =	sbr.abs _section_cstart, $3  }
0xc8: {  	[dreg:$0x1] =	wrdreg $0xFFFFFFFF  }
0xc9: {  	_ =	task.clear_ibuf [dreg:s8], $0x2FFFF;
	_ =	strace $0x9FFFFFFF  }
0xca: {  	(tm) =	ssettm $0x7FFFFFFF  }
0xcb: {  	_ =	shalt  }
tec
execute0_lowered:
.L_overlay_start_1:
0x0: {  	(tag) =	ssettag $0x1  }
0x1: {  	s4 =	rddreg [dreg:$0x0]  }
0x2: {  	s7 =	rddreg [dreg:$0x1]  }
0x3: {  	s1 =	rddreg [dreg:$0x2]  }
0x4: {  	s2 =	rddreg [dreg:$0x3]  }
0x5: {  	s0 =	rddreg [dreg:$0x4];
	s3 =	simm.s32 $0x0;
	s5 =	srdreg.scid  }
0x6: {  	s9 =	stileid.u32;
	[smem:$0x7FF] =	sst s3  }
0x7: {  	s8 =	sand.u32 $0x1, s5;
	s10 =	sshll.u32 s9, $0xC;
	s31 =	sshll.u32 s9, $0x5  }
0x8: {  	p0 =	sne.s32 s9, $0x0;
	s5 =	smul.u32 $0x27100, s8;
	s6 =	ssub.s32 $0x2, s8  }
0x9: {  	_ =	strace $0x8000004A;
	s10 =	sadd.s32 s10, s4;
	s30 =	sshll.u32 s8, $0xB  }
0xa: {  	s8 =	sshll.u32 s8, $0x4;
	s11 =	sshrl.u32 s6, $0x1;
	s10 =	sadd.s32 s30, s10  }
0xb: {  	s5 =	sadd.s32 s5, s4;
	s6 =	ssub.s32 s6, s11;
	s4 =	sshll.u32 s9, $0x1  }
0xc: {  	s11 =	sadd.s32 s31, s7;
	s7 =	sadd.s32 $0x9D0400, s10;
	s9 =	sshrl.u32 @!p0 s2, $0x3  }
0xd: {  	s5 =	sadd.s32 $0x2600, s5;
	s6 =	smax.u32 s6, $0x1;
	s8 =	sadd.s32 s8, s11  }
.LBB2_1:
0xe: {  	s10 =	simm.s32 @!p0 $0x1C01  }
0xf: {  	[spmem:s9], [sflag:s10] =	dma.local @!p0 [hbm:s1], $0x27100  }
0x10: {  	s10 =	simm.s32 @!p0 $0x1  }
0x11: {  	s30 =	sadd.s32 $0x0, s4;
	_ =	swait.ge @!p0 [sflag:s10], $0x27100  }
0x12: {  	p1 =	sgt.u32 s30, $0x9C3;
	[sflag:s10] =	ssyncset.done @!p0 $0x0  }
0x13: {  	s11 =	simm.s32 @!p1 $0x13880;
	[sflag:s10] =	ssyncadd.s32 @!p0 $0xFFFD8F00  }
0x14: {  	s13 =	simm.s32 @!p1 $0x2;
	s10 =	simm.s32 @!p1 $0x0;
	[bflag:$0x0] =	sbarrier.arrive $0xFFFF  }
0x15: {  	[tilespmem:s11], [sflag:$0x2] =	stream.linear.gather @!p1 [hbm4b:s8+s10], $0x80, $0x38;
	[tilespmem:$0x17900] =	vst v63  }
0x16: {  	_ =	swait.ge @!p1 [sflag:s13], $0x80;
	p1 =	por p1, p1  }
0x17: {  	[sflag:s13] =	ssyncset.done @!p1 $0x0  }
0x18: {  	s14 =	simm.s32 @!p1 $0x13900;
	[sflag:s13] =	ssyncadd.s32 @!p1 $0xFFFFFF80  }
0x19: {  	[tilespmem:s14], [sflag:$0x2] =	stream.linear.gather @!p1 [hbm4b:s7+s10], $0x4000, $0x38;
	[tilespmem:$0x17900] =	vst v63  }
0x1a: {  	s31 =	sadd.s32 $0x20, s4;
	_ =	swait.ge @!p1 [sflag:s13], $0x4000  }
0x1b: {  	s12 =	simm.s32 $0x40;
	p2 =	sgt.u32 s31, $0x9C3;
	[sflag:s13] =	ssyncset.done @!p1 $0x0  }
0x1c: {  	s10 =	simm.s32 @!p1 $0x80;
	[sflag:s13] =	ssyncadd.s32 @!p1 $0xFFFFC000;
	s13 =	simm.s32 @!p1 $0x1  }
0x1d: {  	[spmem:s2] =	stream.indirect.scatter.add.f32 @!p1 [tilespmem:s14], [sflag:$0x1], $0x80, s11, s10, $0xb8;
	[tilespmem:$0x17900] =	vst v63  }
0x1e: {  	s11 =	sadd.s32 $0x200, s8;
	s10 =	sadd.s32 $0x10000, s7;
	_ =	swait.ge @!p1 [sflag:s13], $0x4000  }
.LBB2_2:
0x1f: {  	s14 =	simm.s32 @!p2 $0x0  }
0x20: {  	s15 =	simm.s32 @!p2 $0x13880;
	[sflag:s13] =	ssyncset.done @!p1 $0x0;
	s16 =	smov.u32 s12  }
0x21: {  	s12 =	sadd.s32 $0x20, s12;
	s17 =	simm.s32 @!p2 $0x2;
	[sflag:s13] =	ssyncadd.s32 @!p1 $0xFFFFC000  }
0x22: {  	[tilespmem:s15], [sflag:$0x2] =	stream.linear.gather @!p2 [hbm4b:s11+s14], $0x80, $0x38;
	[tilespmem:$0x17900] =	vst v63  }
0x23: {  	p3 =	sne.s32 s12, $0x9E0;
	p1 =	por p2, p2;
	_ =	swait.ge @!p2 [sflag:s17], $0x80  }
0x24: {  	[sflag:s17] =	ssyncset.done @!p1 $0x0  }
0x25: {  	s18 =	simm.s32 @!p1 $0x13900;
	[sflag:s17] =	ssyncadd.s32 @!p1 $0xFFFFFF80  }
0x26: {  	[tilespmem:s18], [sflag:$0x2] =	stream.linear.gather @!p1 [hbm4b:s10+s14], $0x4000, $0x38;
	[tilespmem:$0x17900] =	vst v63  }
.Ltmp0:
0x27: {  	_ =	swait.ge @!p1 [sflag:s17], $0x4000;
	(pc) =	sbr.rel @p3 .LBB2_2-.Ltmp0, $4  }
0x28: {  	s13 =	simm.s32 @!p1 $0x1;
	s11 =	sadd.s32 $0x200, s11;
	[sflag:s17] =	ssyncset.done @!p1 $0x0  }
0x29: {  	s14 =	sadd.s32 s16, s4;
	s16 =	simm.s32 @!p1 $0x80;
	[sflag:s17] =	ssyncadd.s32 @!p1 $0xFFFFC000  }
0x2a: {  	[spmem:s2] =	stream.indirect.scatter.add.f32 @!p1 [tilespmem:s18], [sflag:$0x1], $0x80, s15, s16, $0xb8;
	[tilespmem:$0x17900] =	vst v63  }
0x2b: {  	s10 =	sadd.s32 $0x10000, s10;
	p2 =	sgt.u32 s14, $0x9C3;
	_ =	swait.ge @!p1 [sflag:s13], $0x4000  }
0x2c: {  	s12 =	simm.s32 @!p2 $0x0;
	[sflag:s13] =	ssyncset.done @!p1 $0x0  }
0x2d: {  	s14 =	simm.s32 @!p2 $0x13880;
	s15 =	simm.s32 @!p2 $0x2;
	[sflag:s13] =	ssyncadd.s32 @!p1 $0xFFFFC000  }
0x2e: {  	[tilespmem:s14], [sflag:$0x2] =	stream.linear.gather @!p2 [hbm4b:s11+s12], $0x80, $0x38;
	[tilespmem:$0x17900] =	vst v63  }
0x2f: {  	p1 =	por p2, p2;
	_ =	swait.ge @!p2 [sflag:s15], $0x80  }
0x30: {  	[sflag:s15] =	ssyncset.done @!p1 $0x0  }
0x31: {  	s11 =	simm.s32 @!p1 $0x13900;
	[sflag:s15] =	ssyncadd.s32 @!p1 $0xFFFFFF80  }
0x32: {  	[tilespmem:s11], [sflag:$0x2] =	stream.linear.gather @!p1 [hbm4b:s10+s12], $0x4000, $0x38;
	[tilespmem:$0x17900] =	vst v63  }
0x33: {  	_ =	swait.ge @!p1 [sflag:s15], $0x4000  }
0x34: {  	[sflag:s15] =	ssyncset.done @!p1 $0x0  }
0x35: {  	s10 =	simm.s32 @!p1 $0x1;
	s12 =	simm.s32 @!p1 $0x80;
	[sflag:s15] =	ssyncadd.s32 @!p1 $0xFFFFC000  }
0x36: {  	[spmem:s2] =	stream.indirect.scatter.add.f32 @!p1 [tilespmem:s11], [sflag:$0x1], $0x80, s14, s12, $0xb8;
	[tilespmem:$0x17900] =	vst v63  }
0x37: {  	_ =	swait.ge @!p1 [sflag:s10], $0x4000  }
0x38: {  	[sflag:s10] =	ssyncset.done @!p1 $0x0  }
0x39: {  	s3 =	sadd.s32 $0x1, s3;
	[sflag:s10] =	ssyncadd.s32 @!p1 $0xFFFFC000  }
0x3a: {  	s10 =	simm.s32 @!p0 $0x1C01;
	p1 =	sne.s32 s3, s6;
	[bflag:$0x0] =	sbarrier.arrive $0xFFFF  }
0x3b: {  	[hbm:s5], [sflag:s10] =	dma.local @!p0 [spmem:s9], $0x27100  }
.Ltmp1:
0x3c: {  	_ = 	snop;
	(pc) =	sbr.rel @p1 .LBB2_1-.Ltmp1, $4  }
0x3d: {  	s10 =	simm.s32 @!p0 $0x1  }
0x3e: {  	_ =	swait.ge @!p0 [sflag:s10], $0x27100  }
0x3f: {  	[sflag:s10] =	ssyncset.done @!p0 $0x0  }
0x40: {  	[sflag:s10] =	ssyncadd.s32 @!p0 $0xFFFD8F00  }
0x41: {  	_ =	sfence.sel $0x180000  }
0x42: {  	[bflag:$0x0] =	sbarrier.arrive $0xFFFF  }
0x43: {  	_ =	strace $0x9000004A  }
0x44: {  	s0 =	sadd.s32 @!p0 $0x100000, s0;
	[bflag:$0x2] =	sbarrier.arrive $0xFFFF  }
0x45: {  	[sflag:s0] =	ssyncadd.tile.s32 @!p0 $0x1;
	_ =	shalt  }
.Lfunc_end2:
_tile_overlayer_lowered:
.L_overlay_start_2:
0x46: {  	(tag) =	ssettag $0x2  }
0x47: {  	s0 =	rddreg [dreg:$0x0];
	s2 =	stileid.u32  }
0x48: {  	s1 =	rddreg [dreg:$0x1];
	p0 =	sne.s32 s2, $0x0  }
0x49: {  	s3 =	rddreg [dreg:$0x2];
	[bflag:$0x3] =	sbarrier.arrive $0xFFFF;
	s2 =	simm.s32 @!p0 $0x1C01  }
0x4a: {  	[timem:s3], [sflag:s2] =	dma.local @!p0 [hbm:s0], s1  }
0x4b: {  	s0 =	simm.s32 @!p0 $0x1  }
0x4c: {  	_ =	swait.ge @!p0 [sflag:s0], s1  }
0x4d: {  	s1 =	ssub.s32 @!p0 $0x0, s1;
	[sflag:s0] =	ssyncset.done @!p0 $0x0  }
0x4e: {  	[sflag:s0] =	ssyncadd.s32 @!p0 s1  }
0x4f: {  	[bflag:$0x3] =	sbarrier.arrive $0xFFFF  }
0x50: {  	_ =	shalt  }

// kernel: kernel.7.cloned.1.call-start
scs
__scs_entry_jumppad:
0x0: {  	(pc) =	sbr.rel $0x88, $3  }
0x1: {  	(tag) =	ssettag $0x0;
	lr =	simm.s32 $0x1  }
0x2: {  	[smem:$0x3F96] =	sst lr;
	_ =	strace $0xD0000000  }
0x3: {  	_ = 	snop  }
0x4: {  	_ = 	snop  }
0x5: {  	_ = 	snop  }
0x6: {  	_ = 	snop  }
0x7: {  	_ = 	snop  }
__scs_overlays_trampoline_lowered:
0x8: {  	[smem:$0x3FA5] =	sst s0  }
0x9: {  	[smem:$0x3FA6] =	sst s1  }
0xa: {  	[smem:$0x3FA7] =	sst s2  }
0xb: {  	[smem:$0x3FA8] =	sst s3  }
0xc: {  	[smem:$0x3FA9] =	sst s4  }
0xd: {  	[smem:$0x3FAA] =	sst s5  }
0xe: {  	[smem:$0x3FAB] =	sst s6  }
0xf: {  	[smem:$0x3FAC] =	sst s7  }
0x10: {  	[smem:$0x3FAD] =	sst s8  }
0x11: {  	[smem:$0x3FAE] =	sst s9;
	s0 =	simm.s32 @!p0 $0x0  }
0x12: {  	s1 =	sld [smem:$0x3F94];
	s0 =	simm.s32 @p0 $0x1  }
0x13: {  	[smem:$0x3FAF] =	sst s0;
	s0 =	simm.s32 @!p1 $0x0  }
0x14: {  	s2 =	sld [smem:$0x3F93];
	s0 =	simm.s32 @p1 $0x1  }
0x15: {  	[smem:$0x3FB0] =	sst s0;
	s0 =	simm.s32 @!p2 $0x0  }
0x16: {  	s3 =	sld [smem:$0x3FDB];
	s0 =	simm.s32 @p2 $0x1  }
0x17: {  	s4 =	simm.s32 $0x1BF5;
	[smem:$0x3FB2] =	sst s0  }
0x18: {  	s0 =	sld [smem:$0x3F95];
	_ =	swait.ge [sflag:s4], $0x0  }
0x19: {  	s7 =	sld [smem:$0x3F96]  }
0x1a: {  	s8 =	sadd.s32 $0xFFFFE003, lr  }
0x1b: {  	s9 =	sadd.s32 $0xFFFFFEF7, lr;
	s5 =	simm.s32 $0xFFFFFFFF;
	p2 =	slt.u32 s8, $0xFFFFF086  }
0x1c: {  	p1 =	slt.u32 s9, $0xF7A;
	s5 =	simm.s32 @!p2 $0x0  }
0x1d: {  	s5 =	simm.s32 @p1 $0x1;
	p0 =	seq.s32 s7, s2  }
0x1e: {  	s7 =	smul.u32 @!p0 $0xF7A, s2;
	p2 =	seq.s32 @!p0 s5, $0x0  }
0x1f: {  	s9 =	smul.u32 $0xF7A, s1;
	s8 =	simm.s32 @!p0 $0x1BF5;
	p2 =	por !p2, p0  }
0x20: {  	[sflag:s8] =	ssyncset.s32 @!p0 $0xFFFFF086;
	s6 =	sadd.s32 @!p0 s3, s7;
	s7 =	simm.s32 @!p0 $0x108  }
0x21: {  	s3 =	sadd.s32 s3, s9;
	s6 =	sadd.s32 @!p0 $0x88, s6;
	s7 =	simm.s32 @p2 $0x1082  }
0x22: {  	[simem:s7], [sflag:s8] =	dma.local @!p0 [hbm:s6], $0xF7A  }
0x23: {  	s9 =	sor.u32 $0xD0000000, s2;
	s6 =	simm.s32 $0x108;
	_ =	swait.ge @!p0 [sflag:s8], $0x0  }
0x24: {  	s3 =	sadd.s32 $0x88, s3;
	s6 =	simm.s32 @!p1 $0x1082;
	[sflag:s4] =	ssyncset.s32 $0xFFFFF086  }
0x25: {  	[simem:s6], [sflag:s4] =	dma.local [hbm:s3], $0xF7A  }
0x26: {  	[smem:$0x3F96] =	sst s1;
	(tag) =	ssettag s2;
	_ =	strace s9  }
0x27: {  	s1 =	sld [smem:$0x3FA6]  }
0x28: {  	s2 =	sld [smem:$0x3FA7]  }
0x29: {  	s4 =	sld [smem:$0x3FA9]  }
0x2a: {  	p0 =	seq.s32 s5, $0x0;
	s5 =	sld [smem:$0x3FAA]  }
0x2b: {  	s6 =	sld [smem:$0x3FAB]  }
0x2c: {  	s7 =	sld [smem:$0x3FAC]  }
0x2d: {  	s3 =	simm.s32 $0x108;
	s8 =	sld [smem:$0x3FAD]  }
0x2e: {  	s3 =	simm.s32 @!p0 $0x1082;
	s9 =	sld [smem:$0x3FAE]  }
0x2f: {  	lr =	sadd.s32 s0, s3;
	s0 =	sld [smem:$0x3FA5]  }
0x30: {  	s3 =	sld [smem:$0x3FA8]  }
0x31: {  	[smem:$0x3FB1] =	sst s10  }
0x32: {  	s10 =	sld [smem:$0x3FAF];
	_ =	sdelay $0x3  }
0x33: {  	p0 =	seq.s32 s10, $0x1;
	s10 =	sld [smem:$0x3FB1];
	_ =	sdelay $0x3  }
0x34: {  	[smem:$0x3FB1] =	sst s10  }
0x35: {  	s10 =	sld [smem:$0x3FB0];
	_ =	sdelay $0x3  }
0x36: {  	p1 =	seq.s32 s10, $0x1;
	s10 =	sld [smem:$0x3FB1];
	_ =	sdelay $0x3  }
0x37: {  	[smem:$0x3FB1] =	sst s10  }
0x38: {  	s10 =	sld [smem:$0x3FB2]  }
0x39: {  	_ = 	snop;
	(pc) =	sbr.ind lr, $3  }
0x3a: {  	_ = 	snop  }
0x3b: {  	_ = 	snop  }
0x3c: {  	p2 =	seq.s32 s10, $0x1;
	s10 =	sld [smem:$0x3FB1]  }
0x3d: {  	_ =	shalt  }
0x3e: {  	_ =	shalt  }
0x3f: {  	_ =	shalt  }
0x40: {  	_ =	shalt  }
0x41: {  	_ =	shalt  }
0x42: {  	_ =	shalt  }
0x43: {  	_ =	shalt  }
0x44: {  	_ =	shalt  }
0x45: {  	_ =	shalt  }
0x46: {  	_ =	shalt  }
0x47: {  	_ =	shalt  }
0x48: {  	_ =	shalt  }
0x49: {  	_ =	shalt  }
0x4a: {  	_ =	shalt  }
0x4b: {  	_ =	shalt  }
0x4c: {  	_ =	shalt  }
0x4d: {  	_ =	shalt  }
0x4e: {  	_ =	shalt  }
0x4f: {  	_ =	shalt  }
0x50: {  	_ =	shalt  }
0x51: {  	_ =	shalt  }
0x52: {  	_ =	shalt  }
0x53: {  	_ =	shalt  }
0x54: {  	_ =	shalt  }
0x55: {  	_ =	shalt  }
0x56: {  	_ =	shalt  }
0x57: {  	_ =	shalt  }
0x58: {  	_ =	shalt  }
0x59: {  	_ =	shalt  }
0x5a: {  	_ =	shalt  }
0x5b: {  	_ =	shalt  }
0x5c: {  	_ =	shalt  }
0x5d: {  	_ =	shalt  }
0x5e: {  	_ =	shalt  }
0x5f: {  	_ =	shalt  }
0x60: {  	_ =	shalt  }
0x61: {  	_ =	shalt  }
0x62: {  	_ =	shalt  }
0x63: {  	_ =	shalt  }
0x64: {  	_ =	shalt  }
0x65: {  	_ =	shalt  }
0x66: {  	_ =	shalt  }
0x67: {  	_ =	shalt  }
0x68: {  	_ =	shalt  }
0x69: {  	_ =	shalt  }
0x6a: {  	_ =	shalt  }
0x6b: {  	_ =	shalt  }
0x6c: {  	_ =	shalt  }
0x6d: {  	_ =	shalt  }
0x6e: {  	_ =	shalt  }
0x6f: {  	_ =	shalt  }
0x70: {  	_ =	shalt  }
0x71: {  	_ =	shalt  }
0x72: {  	_ =	shalt  }
0x73: {  	_ =	shalt  }
0x74: {  	_ =	shalt  }
0x75: {  	_ =	shalt  }
0x76: {  	_ =	shalt  }
0x77: {  	_ =	shalt  }
0x78: {  	_ =	shalt  }
0x79: {  	_ =	shalt  }
0x7a: {  	_ =	shalt  }
0x7b: {  	_ =	shalt  }
0x7c: {  	_ =	shalt  }
0x7d: {  	_ =	shalt  }
0x7e: {  	_ =	shalt  }
0x7f: {  	_ =	shalt  }
0x80: {  	_ =	shalt  }
0x81: {  	_ =	shalt  }
0x82: {  	_ =	shalt  }
0x83: {  	_ =	shalt  }
0x84: {  	_ =	shalt  }
0x85: {  	_ =	shalt  }
0x86: {  	_ =	shalt  }
0x87: {  	_ =	shalt  }
.Lfunc_end0:
.L_simem_size_0:
called_computation_lowered:
.L_overlay_start_0:
0x88: {  	s2 =	sld [smem:$0x3FD9]  }
0x89: {  	s3 =	sld [smem:$0x3FFE];
	_ =	sdelay $0x1  }
0x8a: {  	s1 =	srdreg.scid  }
0x8b: {  	s0 =	sand.u32 $0x1, s1  }
0x8c: {  	s14 =	sshll.u32 s0, $0xA;
	s2 =	sadd.s32 s3, s2  }
0x8d: {  	s2 =	sadd.s32 s2, s14  }
0x8e: {  	[smem:$0x3FBD] =	sst s2  }
0x8f: {  	_ = 	snop  }
0x90: {  	s2 =	sld [smem:$0x3FD0];
	_ =	sdelay $0x2  }
0x91: {  	s15 =	simm.s32 $0xA;
	s4 =	simm.s32 $0x10  }
0x92: {  	[smem:s4], [sflag:s15] =	dma.local [hbm:s2], $0x1  }
0x93: {  	_ =	swait.eq [sflag:s15], $0x1  }
0x94: {  	s16 =	sld [smem:$0x10];
	[sflag:s15] =	ssyncset.done $0x0  }
0x95: {  	s17 =	sld [smem:$0x11];
	[sflag:s15] =	ssyncadd.s32 $0xFFFFFFFF  }
0x96: {  	s18 =	sld [smem:$0x12];
	(tm) =	ssettm $0x1  }
0x97: {  	s5 =	sld [smem:$0x3FFB];
	_ =	sdelay $0x3  }
0x98: {  	_ =	strace s5  }
0x99: {  	s5 =	sld [smem:$0x3FFC];
	_ =	sdelay $0x3  }
0x9a: {  	_ =	strace s5  }
0x9b: {  	s5 =	sld [smem:$0x3FFD];
	_ =	sdelay $0x3  }
0x9c: {  	_ =	strace s5  }
0x9d: {  	_ =	strace $0x8FFFFFFF  }
0x9e: {  	s19 =	sld [smem:$0x3FDB];
	_ =	sdelay $0x1  }
0x9f: {  	s6 =	simm.s32 $_scs_section_size  }
0xa0: {  	s7 =	simm.s32 $_size__tile_overlayer_lowered;
	s8 =	simm.s32 $_tile_overlayer_lowered  }
0xa1: {  	s22 =	simm.s32 $0x1BFF;
	s21 =	sshll.u32 s8, $0x1;
	s5 =	sadd.s32 s6, s19  }
0xa2: {  	s9 =	simm.s32 $0x0;
	s20 =	sshll.u32 s7, $0x1;
	s7 =	sadd.s32 s21, s5  }
0xa3: {  	[timem:s9], [sflag:s22] =	dma.local [hbm:s7], s20  }
0xa4: {  	_ =	swait.ge [sflag:s22], s20  }
0xa5: {  	s6 =	ssub.s32 $0x0, s20;
	[sflag:s22] =	ssyncset.done $0x0  }
0xa6: {  	[sflag:s22] =	ssyncadd.s32 s6;
	_ =	sdelay $0x1  }
0xa7: {  	s23 =	simm.s32 $0x1B8B  }
0xa8: {  	_ =	swait.ge [sflag:s23], $0x1  }
0xa9: {  	[sflag:s23] =	ssyncset.done $0x0  }
0xaa: {  	s25 =	simm.s32 $0x1B8E;
	s24 =	sld [smem:$0x3FFE];
	[sflag:s23] =	ssyncadd.s32 $0xFFFFFFFF  }
0xab: {  	s26 =	simm.s32 $execute0_lowered;
	[smem:$0x3FD2] =	sst s25  }
0xac: {  	s7 =	sshll.u32 s26, $0x1;
	_ =	strace $0x80000046;
	[dreg:$0x1] =	wrdreg $0xFFFFFFFF  }
0xad: {  	s28 =	simm.s32 $_size_execute0_lowered;
	s5 =	sadd.s32 s5, s7;
	[dreg:$0x0] =	wrdreg $0x0  }
0xae: {  	s7 =	sshll.u32 s28, $0x1;
	[dreg:$0x2] =	wrdreg s5  }
0xaf: {  	[dreg:$0x3] =	wrdreg s7  }
0xb0: {  	[dreg:$0x4] =	wrdreg $0xC0  }
0xb1: {  	_ =	task [dreg:s9], $0x5FFFF  }
0xb2: {  	[dreg:$0x1] =	wrdreg $0xFFFFFFFF  }
0xb3: {  	[dreg:$0x0] =	wrdreg $0x60  }
0xb4: {  	[dreg:$0x2] =	wrdreg s16  }
0xb5: {  	[dreg:$0x3] =	wrdreg s18  }
0xb6: {  	[dreg:$0x4] =	wrdreg s24  }
0xb7: {  	[dreg:$0x5] =	wrdreg s17  }
0xb8: {  	[dreg:$0x6] =	wrdreg $0x9  }
0xb9: {  	_ =	task.clear_ibuf [dreg:s9], $0x7FFFF;
	_ =	strace $0x90000046  }
0xba: {  	s29 =	simm.s32 $0x9;
	_ =	strace $0x80000048  }
0xbb: {  	_ =	swait.ge [sflag:s29], $0x1  }
0xbc: {  	[sflag:s29] =	ssyncadd.s32 $0xFFFFFFFF  }
0xbd: {  	_ =	strace $0x90000048  }
0xbe: {  	_ =	sfence  }
0xbf: {  	s30 =	sld [smem:$0x0];
	_ =	sdelay $0x2  }
0xc0: {  	s31 =	sshll.u32 s1, $0xD;
	s1 =	sshrl.u32 s1, $0x2  }
0xc1: {  	s3 =	sand.u32 $0x4000, s31;
	s1 =	sadd.s32 s1, s30  }
0xc2: {  	s0 =	sor.u32 s3, s0;
	s1 =	sshll.u32 s1, $0x11  }
0xc3: {  	s0 =	sor.u32 s1, s0  }
0xc4: {  	s0 =	sadd.s32 $0x8F2B, s0  }
0xc5: {  	[sflag:s0] =	ssyncadd.remote.s32 $0x1  }
0xc6: {  	_ =	sfence.sel $0xFFFF  }
0xc7: {  	[dreg:$0x0] =	wrdreg $0xFFFFFFFF;
	(pc) =	sbr.abs _section_cstart, $3  }
0xc8: {  	[dreg:$0x1] =	wrdreg $0xFFFFFFFF  }
0xc9: {  	_ =	task.clear_ibuf [dreg:s9], $0x2FFFF;
	_ =	strace $0x9FFFFFFF  }
0xca: {  	(tm) =	ssettm $0x7FFFFFFF  }
0xcb: {  	_ =	shalt  }
tec
execute0_lowered:
.L_overlay_start_1:
0x0: {  	(tag) =	ssettag $0x1  }
0x1: {  	s1 =	rddreg [dreg:$0x0]  }
0x2: {  	s2 =	rddreg [dreg:$0x1]  }
0x3: {  	s5 =	rddreg [dreg:$0x2]  }
0x4: {  	s7 =	rddreg [dreg:$0x3];
	s3 =	srdreg.scid  }
0x5: {  	s0 =	rddreg [dreg:$0x4];
	s4 =	simm.s32 $0x0;
	s8 =	sand.u32 $0x1, s3  }
0x6: {  	[smem:$0x7FF] =	sst s4;
	s3 =	stileid.u32;
	s6 =	ssub.s32 $0x2, s8  }
0x7: {  	_ =	strace $0x80000047;
	s9 =	sshll.u32 s3, $0x5;
	s30 =	sshll.u32 s3, $0xC  }
0x8: {  	s31 =	sshll.u32 s8, $0x4;
	s8 =	sshll.u32 s8, $0xB;
	s10 =	sshrl.u32 s6, $0x1  }
0x9: {  	s11 =	sadd.s32 s9, s5;
	s7 =	sadd.s32 s9, s7;
	s6 =	ssub.s32 s6, s10  }
0xa: {  	s10 =	sadd.s32 s30, s5;
	s5 =	sshll.u32 s3, $0x1;
	s7 =	sadd.s32 s31, s7  }
0xb: {  	s9 =	sadd.s32 s31, s11;
	s6 =	smax.u32 s6, $0x1;
	s10 =	sadd.s32 s8, s10  }
0xc: {  	s8 =	sadd.s32 $0x2600, s9;
	s9 =	sadd.s32 $0x4EE400, s10;
	s10 =	sadd.s32 $0xC400, s10  }
.LBB2_1:
0xd: {  	p0 =	sgt.u32 s5, $0x9C3  }
0xe: {  	s11 =	sadd.s32 @!p0 $0x0, s8;
	s12 =	simm.s32 @!p0 $0x0;
	s15 =	simm.s32 @!p0 $0x4  }
0xf: {  	[tilespmem:s12], [sflag:$0x4] =	stream.linear.gather @!p0 [hbm4b:s11+s12], $0x80, $0x38;
	[tilespmem:$0x8100] =	vst v63  }
0x10: {  	_ =	swait.ge @!p0 [sflag:s15], $0x80;
	p0 =	por p0, p0  }
0x11: {  	[sflag:s15] =	ssyncset.done @!p0 $0x0  }
0x12: {  	s11 =	sadd.s32 @!p0 $0x0, s7;
	s13 =	simm.s32 @!p0 $0x80;
	[sflag:s15] =	ssyncadd.s32 @!p0 $0xFFFFFF80  }
0x13: {  	[tilespmem:s13], [sflag:$0x4] =	stream.linear.gather @!p0 [hbm4b:s11+s12], $0x80, $0x38;
	[tilespmem:$0x8100] =	vst v63  }
0x14: {  	_ =	swait.ge @!p0 [sflag:s15], $0x80  }
0x15: {  	[sflag:s15] =	ssyncset.done @!p0 $0x0  }
0x16: {  	s11 =	simm.s32 @!p0 $0x100;
	[sflag:s15] =	ssyncadd.s32 @!p0 $0xFFFFFF80  }
0x17: {  	[tilespmem:s11], [sflag:$0x1] =	stream.indirect.gather @!p0 [hbm4b:s1+s13], $0x80, s12, s13, $0xb8;
	[tilespmem:$0x8100] =	vst v63  }
0x18: {  	s16 =	simm.s32 @!p0 $0x4100;
	s14 =	simm.s32 @!p0 $0x1  }
0x19: {  	[tilespmem:s16], [sflag:$0x2] =	stream.indirect.gather @!p0 [hbm4b:s2+s13], $0x80, s13, s13, $0xb8;
	[tilespmem:$0x8100] =	vst v63  }
0x1a: {  	_ =	swait.ge @!p0 [sflag:s14], $0x4000  }
0x1b: {  	[sflag:s14] =	ssyncset.done @!p0 $0x0  }
0x1c: {  	s13 =	simm.s32 @!p0 $0x2;
	[sflag:s14] =	ssyncadd.s32 @!p0 $0xFFFFC000  }
0x1d: {  	_ =	swait.ge @!p0 [sflag:s13], $0x4000  }
0x1e: {  	[sflag:s13] =	ssyncset.done @!p0 $0x0  }
0x1f: {  	[sflag:s13] =	ssyncadd.s32 @!p0 $0xFFFFC000  }
0x20: {  	[hbm4b:s10+s12] =	stream.linear.scatter @!p0 [tilespmem:s11], [sflag:$0x4], $0x4000, $0x38;
	[tilespmem:$0x8100] =	vst v63  }
0x21: {  	_ =	swait.ge @!p0 [sflag:s15], $0x4000  }
0x22: {  	[sflag:s15] =	ssyncset.done @!p0 $0x0  }
0x23: {  	s14 =	simm.s32 $0x400;
	s13 =	simm.s32 $0x200;
	[sflag:s15] =	ssyncadd.s32 @!p0 $0xFFFFC000  }
0x24: {  	[hbm4b:s9+s12] =	stream.linear.scatter @!p0 [tilespmem:s16], [sflag:$0x3], $0x4000, $0x38;
	[tilespmem:$0x8100] =	vst v63  }
0x25: {  	s11 =	sadd.s32 $0x10000, s10;
	s15 =	sadd.s32 $0x20, s5;
	s16 =	simm.s32 @!p0 $0x3  }
0x26: {  	p2 =	sgt.u32 s15, $0x9C3;
	s12 =	sadd.s32 $0x10000, s9;
	_ =	swait.ge @!p0 [sflag:s16], $0x4000  }
.LBB2_2:
0x27: {  	s17 =	sadd.s32 @!p2 s13, s8  }
0x28: {  	s18 =	simm.s32 @!p2 $0x0;
	[sflag:s16] =	ssyncset.done @!p0 $0x0;
	s19 =	smov.u32 s14  }
0x29: {  	s14 =	sadd.s32 $0x200, s14;
	s20 =	simm.s32 @!p2 $0x4;
	[sflag:s16] =	ssyncadd.s32 @!p0 $0xFFFFC000  }
0x2a: {  	[tilespmem:s18], [sflag:$0x4] =	stream.linear.gather @!p2 [hbm4b:s17+s18], $0x80, $0x38;
	[tilespmem:$0x8100] =	vst v63  }
0x2b: {  	p1 =	sne.s32 s14, $0x9E00;
	p0 =	por p2, p2;
	_ =	swait.ge @!p2 [sflag:s20], $0x80  }
0x2c: {  	[sflag:s20] =	ssyncset.done @!p0 $0x0  }
0x2d: {  	s13 =	sadd.s32 @!p0 s13, s7;
	s16 =	simm.s32 @!p0 $0x80;
	[sflag:s20] =	ssyncadd.s32 @!p0 $0xFFFFFF80  }
0x2e: {  	[tilespmem:s16], [sflag:$0x4] =	stream.linear.gather @!p0 [hbm4b:s13+s18], $0x80, $0x38;
	[tilespmem:$0x8100] =	vst v63  }
0x2f: {  	s13 =	smov.u32 s19;
	_ =	swait.ge @!p0 [sflag:s20], $0x80  }
0x30: {  	[sflag:s20] =	ssyncset.done @!p0 $0x0  }
0x31: {  	s17 =	simm.s32 @!p0 $0x100;
	[sflag:s20] =	ssyncadd.s32 @!p0 $0xFFFFFF80  }
0x32: {  	[tilespmem:s17], [sflag:$0x1] =	stream.indirect.gather @!p0 [hbm4b:s1+s16], $0x80, s18, s16, $0xb8;
	[tilespmem:$0x8100] =	vst v63  }
0x33: {  	s21 =	simm.s32 @!p0 $0x1;
	s19 =	simm.s32 @!p0 $0x4100  }
0x34: {  	[tilespmem:s19], [sflag:$0x2] =	stream.indirect.gather @!p0 [hbm4b:s2+s16], $0x80, s16, s16, $0xb8;
	[tilespmem:$0x8100] =	vst v63  }
0x35: {  	_ =	swait.ge @!p0 [sflag:s21], $0x4000  }
0x36: {  	[sflag:s21] =	ssyncset.done @!p0 $0x0  }
0x37: {  	s16 =	simm.s32 @!p0 $0x2;
	[sflag:s21] =	ssyncadd.s32 @!p0 $0xFFFFC000  }
0x38: {  	_ =	swait.ge @!p0 [sflag:s16], $0x4000  }
0x39: {  	[sflag:s16] =	ssyncset.done @!p0 $0x0  }
0x3a: {  	[sflag:s16] =	ssyncadd.s32 @!p0 $0xFFFFC000  }
0x3b: {  	[hbm4b:s11+s18] =	stream.linear.scatter @!p0 [tilespmem:s17], [sflag:$0x4], $0x4000, $0x38;
	[tilespmem:$0x8100] =	vst v63  }
.Ltmp0:
0x3c: {  	_ =	swait.ge @!p0 [sflag:s20], $0x4000;
	(pc) =	sbr.rel @p1 .LBB2_2-.Ltmp0, $4  }
0x3d: {  	s11 =	sadd.s32 $0x10000, s11;
	[sflag:s20] =	ssyncset.done @!p0 $0x0  }
0x3e: {  	s15 =	sadd.s32 $0x20, s15;
	s16 =	simm.s32 @!p0 $0x3;
	[sflag:s20] =	ssyncadd.s32 @!p0 $0xFFFFC000  }
0x3f: {  	[hbm4b:s12+s18] =	stream.linear.scatter @!p0 [tilespmem:s19], [sflag:$0x3], $0x4000, $0x38;
	[tilespmem:$0x8100] =	vst v63  }
0x40: {  	p2 =	sgt.u32 s15, $0x9C3;
	s12 =	sadd.s32 $0x10000, s12;
	_ =	swait.ge @!p0 [sflag:s16], $0x4000  }
0x41: {  	s14 =	sadd.s32 @!p2 s13, s8;
	[sflag:s16] =	ssyncset.done @!p0 $0x0  }
0x42: {  	s15 =	simm.s32 @!p2 $0x0;
	s17 =	simm.s32 @!p2 $0x4;
	[sflag:s16] =	ssyncadd.s32 @!p0 $0xFFFFC000  }
0x43: {  	[tilespmem:s15], [sflag:$0x4] =	stream.linear.gather @!p2 [hbm4b:s14+s15], $0x80, $0x38;
	[tilespmem:$0x8100] =	vst v63  }
0x44: {  	p0 =	por p2, p2;
	_ =	swait.ge @!p2 [sflag:s17], $0x80  }
0x45: {  	[sflag:s17] =	ssyncset.done @!p0 $0x0  }
0x46: {  	s13 =	sadd.s32 @!p0 s13, s7;
	s14 =	simm.s32 @!p0 $0x80;
	[sflag:s17] =	ssyncadd.s32 @!p0 $0xFFFFFF80  }
0x47: {  	[tilespmem:s14], [sflag:$0x4] =	stream.linear.gather @!p0 [hbm4b:s13+s15], $0x80, $0x38;
	[tilespmem:$0x8100] =	vst v63  }
0x48: {  	_ =	swait.ge @!p0 [sflag:s17], $0x80  }
0x49: {  	[sflag:s17] =	ssyncset.done @!p0 $0x0  }
0x4a: {  	s13 =	simm.s32 @!p0 $0x100;
	[sflag:s17] =	ssyncadd.s32 @!p0 $0xFFFFFF80  }
0x4b: {  	[tilespmem:s13], [sflag:$0x1] =	stream.indirect.gather @!p0 [hbm4b:s1+s14], $0x80, s15, s14, $0xb8;
	[tilespmem:$0x8100] =	vst v63  }
0x4c: {  	s16 =	simm.s32 @!p0 $0x4100;
	s18 =	simm.s32 @!p0 $0x1  }
0x4d: {  	[tilespmem:s16], [sflag:$0x2] =	stream.indirect.gather @!p0 [hbm4b:s2+s14], $0x80, s14, s14, $0xb8;
	[tilespmem:$0x8100] =	vst v63  }
0x4e: {  	_ =	swait.ge @!p0 [sflag:s18], $0x4000  }
0x4f: {  	[sflag:s18] =	ssyncset.done @!p0 $0x0  }
0x50: {  	s14 =	simm.s32 @!p0 $0x2;
	[sflag:s18] =	ssyncadd.s32 @!p0 $0xFFFFC000  }
0x51: {  	_ =	swait.ge @!p0 [sflag:s14], $0x4000  }
0x52: {  	[sflag:s14] =	ssyncset.done @!p0 $0x0  }
0x53: {  	[sflag:s14] =	ssyncadd.s32 @!p0 $0xFFFFC000  }
0x54: {  	[hbm4b:s11+s15] =	stream.linear.scatter @!p0 [tilespmem:s13], [sflag:$0x4], $0x4000, $0x38;
	[tilespmem:$0x8100] =	vst v63  }
0x55: {  	s4 =	sadd.s32 $0x1, s4;
	_ =	swait.ge @!p0 [sflag:s17], $0x4000  }
0x56: {  	p1 =	sne.s32 s4, s6;
	[sflag:s17] =	ssyncset.done @!p0 $0x0  }
.Ltmp1:
0x57: {  	s11 =	simm.s32 @!p0 $0x3;
	[sflag:s17] =	ssyncadd.s32 @!p0 $0xFFFFC000;
	(pc) =	sbr.rel @p1 .LBB2_1-.Ltmp1, $4  }
0x58: {  	[hbm4b:s12+s15] =	stream.linear.scatter @!p0 [tilespmem:s16], [sflag:$0x3], $0x4000, $0x38;
	[tilespmem:$0x8100] =	vst v63  }
0x59: {  	_ =	swait.ge @!p0 [sflag:s11], $0x4000  }
0x5a: {  	[sflag:s11] =	ssyncset.done @!p0 $0x0  }
0x5b: {  	[sflag:s11] =	ssyncadd.s32 @!p0 $0xFFFFC000  }
0x5c: {  	_ =	sfence.sel $0x180000  }
0x5d: {  	[bflag:$0x0] =	sbarrier.arrive $0xFFFF  }
0x5e: {  	p0 =	sne.s32 s3, $0x0;
	_ =	strace $0x90000047  }
0x5f: {  	s0 =	sadd.s32 @!p0 $0x100000, s0;
	[bflag:$0x2] =	sbarrier.arrive $0xFFFF  }
0x60: {  	[sflag:s0] =	ssyncadd.tile.s32 @!p0 $0x1;
	_ =	shalt  }
.Lfunc_end2:
_tile_overlayer_lowered:
.L_overlay_start_2:
0x61: {  	(tag) =	ssettag $0x2  }
0x62: {  	s0 =	rddreg [dreg:$0x0];
	s2 =	stileid.u32  }
0x63: {  	s1 =	rddreg [dreg:$0x1];
	p0 =	sne.s32 s2, $0x0  }
0x64: {  	s3 =	rddreg [dreg:$0x2];
	[bflag:$0x3] =	sbarrier.arrive $0xFFFF;
	s2 =	simm.s32 @!p0 $0x1C03  }
0x65: {  	[timem:s3], [sflag:s2] =	dma.local @!p0 [hbm:s0], s1  }
0x66: {  	s0 =	simm.s32 @!p0 $0x3  }
0x67: {  	_ =	swait.ge @!p0 [sflag:s0], s1  }
0x68: {  	s1 =	ssub.s32 @!p0 $0x0, s1;
	[sflag:s0] =	ssyncset.done @!p0 $0x0  }
0x69: {  	[sflag:s0] =	ssyncadd.s32 @!p0 s1  }
0x6a: {  	[bflag:$0x3] =	sbarrier.arrive $0xFFFF  }
0x6b: {  	_ =	shalt  }

</sc_bundles>
